<compile_context>
chip_gen: v7x
topology: tpu7x:2x2x1
jax: 0.10.2.dev20260603
libtpu: 0.0.44.dev20260713+nightly
codegen_flags: <defaults>
</compile_context>

<pallas_src>
import functools

import jax
import jax.numpy as jnp
from jax import lax
from jax.experimental import pallas as pl
from jax.experimental.pallas import tpu as pltpu
from jax.experimental.pallas import tpu_sc as plsc

DIM = 64
PAD = 128
NC = 2
NS = 16
NW = NC * NS
CHUNK = 128


def _make_gather(npos, batch):
    assert batch == NW * CHUNK
    assert npos % 2 == 0
    mesh = plsc.VectorSubcoreMesh(core_axis_name="c", subcore_axis_name="s")

    @functools.partial(
        pl.kernel,
        mesh=mesh,
        compiler_params=pltpu.CompilerParams(use_tc_tiling_on_sc=False),
        out_type=jax.ShapeDtypeStruct((npos * batch, DIM), jnp.float32),
        scratch_types=[
            pltpu.VMEM((npos, CHUNK), jnp.int32),
            pltpu.VMEM((2, CHUNK, DIM), jnp.float32),
            pltpu.SemaphoreType.DMA,
            pltpu.SemaphoreType.DMA,
            pltpu.SemaphoreType.DMA,
            pltpu.SemaphoreType.DMA,
        ],
    )
    def gather_kernel(idx_hbm, table_hbm, out_hbm,
                      idx_v, rows_v, g0, g1, s0, s1):
        wid = lax.axis_index("s") * NC + lax.axis_index("c")
        base = wid * CHUNK
        gsem = (g0, g1)
        ssem = (s0, s1)
        pltpu.sync_copy(idx_hbm.at[:, pl.ds(base, CHUNK)], idx_v)

        def dbl(p, carry):
            for k in range(CHUNK // 16):
                v = idx_v[p, pl.ds(k * 16, 16)]
                idx_v[p, pl.ds(k * 16, 16)] = v + v
            return carry

        lax.fori_loop(0, npos, dbl, 0)
        pltpu.async_copy(table_hbm.at[idx_v.at[0]], rows_v.at[0], gsem[0])

        def outer(j, carry):
            for b in range(2):
                cur = 2 * j + b
                nb = 1 - b
                @pl.when(cur + 1 < npos)
                def _():
                    @pl.when(cur >= 1)
                    def _():
                        pltpu.make_async_copy(
                            rows_v.at[nb],
                            out_hbm.at[pl.ds(0, CHUNK)],
                            ssem[nb]).wait()
                    pltpu.async_copy(table_hbm.at[idx_v.at[cur + 1]],
                                     rows_v.at[nb], gsem[nb])
                pltpu.make_async_copy(table_hbm.at[idx_v.at[cur]],
                                      rows_v.at[b], gsem[b]).wait()
                pltpu.async_copy(
                    rows_v.at[b],
                    out_hbm.at[pl.ds(cur * batch + base, CHUNK)],
                    ssem[b])
            return carry

        lax.fori_loop(0, npos // 2, outer, 0)
        for b in range(2):
            pltpu.make_async_copy(rows_v.at[b],
                                  out_hbm.at[pl.ds(0, CHUNK)],
                                  ssem[b]).wait()

    return gather_kernel


def kernel(x, weight):
    batch, npos = x.shape
    xt = x.T.astype(jnp.int32)
    wpad = jnp.pad(weight, ((0, 0), (0, PAD - DIM)))
    w2 = wpad.reshape(2 * wpad.shape[0], DIM)
    out = _make_gather(npos, batch)(xt, w2)
    return out.reshape(npos, batch, DIM).transpose(1, 0, 2)

# --- scband reference (transcript-rebuilt; emitter-appended) ---
"""Pipeline reference for scband-parallel-embedding-89515708383269 (READ-ONLY COPY).

The authoritative reference and input builder live on the scoring server;
editing this copy changes nothing except your own understanding.
"""

import jax, jax.numpy as jnp
import numpy as np

VOCAB = 1000000
DIM = 64

def setup_inputs(seed: int = 0) -> dict:
    key = jax.random.key(seed)
    k_idx, k_w = jax.random.split(key)
    x = jax.random.randint(k_idx, (4096, 50), 0, VOCAB, dtype=jnp.int64 if jax.config.jax_enable_x64 else jnp.int32)
    weight = jax.random.normal(k_w, (VOCAB, DIM), dtype=jnp.float32) * 0.006
    return {"x": x, "weight": weight}

def reference(x, weight):
    # world_size == 1 path: plain embedding lookup
    y = jnp.take(weight, x, axis=0)
    return y

if __name__ == "__main__":
    import jax
    _d = setup_inputs()
    print(jax.jit(kernel)(*tuple(_d.values())))

</pallas_src>

<mosaic_0001>
#map = affine_map<(d0, d1) -> (0, 0)>
module attributes {stable_mosaic.version = 14 : i64} {
  func.func @gather_kernel(%arg0: i32, %arg1: i32, %arg2: memref<50x4096xi32, #tpu.memory_space<hbm>>, %arg3: memref<2000000x64xf32, #tpu.memory_space<hbm>>, %arg4: memref<204800x64xf32, #tpu.memory_space<hbm>>, %arg5: memref<50x128xi32, #tpu.memory_space<vmem>>, %arg6: memref<2x128x64xf32, #tpu.memory_space<vmem>>, %arg7: memref<!tpu.dma_semaphore, #tpu.memory_space<semaphore_mem>>, %arg8: memref<!tpu.dma_semaphore, #tpu.memory_space<semaphore_mem>>, %arg9: memref<!tpu.dma_semaphore, #tpu.memory_space<semaphore_mem>>, %arg10: memref<!tpu.dma_semaphore, #tpu.memory_space<semaphore_mem>>) attributes {dimension_semantics = [#tpu.dimension_semantics<core_parallel>, #tpu.dimension_semantics<subcore_parallel>], iteration_bounds = array<i64: 2, 16>, scalar_prefetch = 0 : i64, scratch_operands = 6 : i64, tpu.core_type = #tpu.core_type<sc_vector_subcore>, window_params = [{transform_indices = #map}, {transform_indices = #map}, {transform_indices = #map}]} {
    %mul3A = arith.constant 2 : i32
    %mul3A_0 = arith.muli %arg1, %mul3A : i32
    %add3A = arith.addi %mul3A_0, %arg0 : i32
    %mul3A_1 = arith.constant 128 : i32
    %mul3A_2 = arith.muli %add3A, %mul3A_1 : i32
    "tpu.region"() ({
      %run_scoped3A = tpu.sem_alloc : memref<!tpu.dma_semaphore, #tpu.memory_space<semaphore_mem>>
      %dma_start3A_54 = arith.constant 0 : i32
      %dma_start3A_55 = tpu.memref_slice %arg2[%dma_start3A_54, %mul3A_2] : memref<50x4096xi32, #tpu.memory_space<hbm>> -> memref<50x128xi32, #tpu.memory_space<hbm>>
      %dma_start3A_56 = arith.constant 0 : i32
      %dma_start3A_57 = tpu.memref_slice %arg2[%dma_start3A_56, %mul3A_2] : memref<50x4096xi32, #tpu.memory_space<hbm>> -> memref<50x128xi32, #tpu.memory_space<hbm>>
      tpu.enqueue_dma source(%dma_start3A_57 : memref<50x128xi32, #tpu.memory_space<hbm>>) target(%arg5 : memref<50x128xi32, #tpu.memory_space<vmem>>) target_semaphore(%run_scoped3A : memref<!tpu.dma_semaphore, #tpu.memory_space<semaphore_mem>>)
      %dma_wait3A_58 = arith.constant 0 : i32
      %dma_wait3A_59 = tpu.memref_slice %arg2[%dma_wait3A_58, %mul3A_2] : memref<50x4096xi32, #tpu.memory_space<hbm>> -> memref<50x128xi32, #tpu.memory_space<hbm>>
      %dma_wait3A_60 = arith.constant 0 : i32
      %dma_wait3A_61 = tpu.memref_slice %arg2[%dma_wait3A_60, %mul3A_2] : memref<50x4096xi32, #tpu.memory_space<hbm>> -> memref<50x128xi32, #tpu.memory_space<hbm>>
      tpu.wait_dma2 semaphore(%run_scoped3A : memref<!tpu.dma_semaphore, #tpu.memory_space<semaphore_mem>>) src(%dma_wait3A_61 : memref<50x128xi32, #tpu.memory_space<hbm>>) dst(%arg5 : memref<50x128xi32, #tpu.memory_space<vmem>>)
      tpu.yield
    }) : () -> ()
    %scan3A = arith.constant 0 : i32
    %scan3A_3 = arith.constant 0 : i32
    %scan3A_4 = arith.constant 50 : i32
    %scan3A_5 = arith.addi %scan3A_3, %scan3A_4 : i32
    %scan3A_6 = arith.constant 1 : i32
    scf.for %scan3A_54 = %scan3A_3 to %scan3A_5 step %scan3A_6  : i32 {
      %get3A = arith.index_cast %scan3A_54 : i32 to index
      %get3A_55 = arith.constant 0 : index
      %get3A_56 = tpu.vector_load %arg5[%get3A, %get3A_55] {strides = array<i32>} : memref<50x128xi32, #tpu.memory_space<vmem>>, vector<1x16xi32>,
      %get3A_57 = vector.shape_cast %get3A_56 : vector<1x16xi32> to vector<16xi32>
      %add3A_58 = arith.addi %get3A_57, %get3A_57 : vector<16xi32>
      %swap3A = arith.index_cast %scan3A_54 : i32 to index
      %swap3A_59 = arith.constant 0 : index
      %swap3A_60 = tpu.vector_load %arg5[%swap3A, %swap3A_59] {strides = array<i32>} : memref<50x128xi32, #tpu.memory_space<vmem>>, vector<1x16xi32>,
      %swap3A_61 = vector.shape_cast %swap3A_60 : vector<1x16xi32> to vector<16xi32>
      %swap3A_62 = vector.shape_cast %add3A_58 : vector<16xi32> to vector<1x16xi32>
      tpu.vector_store %arg5[%swap3A, %swap3A_59], %swap3A_62 {strides = array<i32>} : memref<50x128xi32, #tpu.memory_space<vmem>>, vector<1x16xi32>,
      %get3A_63 = arith.index_cast %scan3A_54 : i32 to index
      %get3A_64 = arith.constant 16 : index
      %get3A_65 = tpu.vector_load %arg5[%get3A_63, %get3A_64] {strides = array<i32>} : memref<50x128xi32, #tpu.memory_space<vmem>>, vector<1x16xi32>,
      %get3A_66 = vector.shape_cast %get3A_65 : vector<1x16xi32> to vector<16xi32>
      %add3A_67 = arith.addi %get3A_66, %get3A_66 : vector<16xi32>
      %swap3A_68 = arith.index_cast %scan3A_54 : i32 to index
      %swap3A_69 = arith.constant 16 : index
      %swap3A_70 = tpu.vector_load %arg5[%swap3A_68, %swap3A_69] {strides = array<i32>} : memref<50x128xi32, #tpu.memory_space<vmem>>, vector<1x16xi32>,
      %swap3A_71 = vector.shape_cast %swap3A_70 : vector<1x16xi32> to vector<16xi32>
      %swap3A_72 = vector.shape_cast %add3A_67 : vector<16xi32> to vector<1x16xi32>
      tpu.vector_store %arg5[%swap3A_68, %swap3A_69], %swap3A_72 {strides = array<i32>} : memref<50x128xi32, #tpu.memory_space<vmem>>, vector<1x16xi32>,
      %get3A_73 = arith.index_cast %scan3A_54 : i32 to index
      %get3A_74 = arith.constant 32 : index
      %get3A_75 = tpu.vector_load %arg5[%get3A_73, %get3A_74] {strides = array<i32>} : memref<50x128xi32, #tpu.memory_space<vmem>>, vector<1x16xi32>,
      %get3A_76 = vector.shape_cast %get3A_75 : vector<1x16xi32> to vector<16xi32>
      %add3A_77 = arith.addi %get3A_76, %get3A_76 : vector<16xi32>
      %swap3A_78 = arith.index_cast %scan3A_54 : i32 to index
      %swap3A_79 = arith.constant 32 : index
      %swap3A_80 = tpu.vector_load %arg5[%swap3A_78, %swap3A_79] {strides = array<i32>} : memref<50x128xi32, #tpu.memory_space<vmem>>, vector<1x16xi32>,
      %swap3A_81 = vector.shape_cast %swap3A_80 : vector<1x16xi32> to vector<16xi32>
      %swap3A_82 = vector.shape_cast %add3A_77 : vector<16xi32> to vector<1x16xi32>
      tpu.vector_store %arg5[%swap3A_78, %swap3A_79], %swap3A_82 {strides = array<i32>} : memref<50x128xi32, #tpu.memory_space<vmem>>, vector<1x16xi32>,
      %get3A_83 = arith.index_cast %scan3A_54 : i32 to index
      %get3A_84 = arith.constant 48 : index
      %get3A_85 = tpu.vector_load %arg5[%get3A_83, %get3A_84] {strides = array<i32>} : memref<50x128xi32, #tpu.memory_space<vmem>>, vector<1x16xi32>,
      %get3A_86 = vector.shape_cast %get3A_85 : vector<1x16xi32> to vector<16xi32>
      %add3A_87 = arith.addi %get3A_86, %get3A_86 : vector<16xi32>
      %swap3A_88 = arith.index_cast %scan3A_54 : i32 to index
      %swap3A_89 = arith.constant 48 : index
      %swap3A_90 = tpu.vector_load %arg5[%swap3A_88, %swap3A_89] {strides = array<i32>} : memref<50x128xi32, #tpu.memory_space<vmem>>, vector<1x16xi32>,
      %swap3A_91 = vector.shape_cast %swap3A_90 : vector<1x16xi32> to vector<16xi32>
      %swap3A_92 = vector.shape_cast %add3A_87 : vector<16xi32> to vector<1x16xi32>
      tpu.vector_store %arg5[%swap3A_88, %swap3A_89], %swap3A_92 {strides = array<i32>} : memref<50x128xi32, #tpu.memory_space<vmem>>, vector<1x16xi32>,
      %get3A_93 = arith.index_cast %scan3A_54 : i32 to index
      %get3A_94 = arith.constant 64 : index
      %get3A_95 = tpu.vector_load %arg5[%get3A_93, %get3A_94] {strides = array<i32>} : memref<50x128xi32, #tpu.memory_space<vmem>>, vector<1x16xi32>,
      %get3A_96 = vector.shape_cast %get3A_95 : vector<1x16xi32> to vector<16xi32>
      %add3A_97 = arith.addi %get3A_96, %get3A_96 : vector<16xi32>
      %swap3A_98 = arith.index_cast %scan3A_54 : i32 to index
      %swap3A_99 = arith.constant 64 : index
      %swap3A_100 = tpu.vector_load %arg5[%swap3A_98, %swap3A_99] {strides = array<i32>} : memref<50x128xi32, #tpu.memory_space<vmem>>, vector<1x16xi32>,
      %swap3A_101 = vector.shape_cast %swap3A_100 : vector<1x16xi32> to vector<16xi32>
      %swap3A_102 = vector.shape_cast %add3A_97 : vector<16xi32> to vector<1x16xi32>
      tpu.vector_store %arg5[%swap3A_98, %swap3A_99], %swap3A_102 {strides = array<i32>} : memref<50x128xi32, #tpu.memory_space<vmem>>, vector<1x16xi32>,
      %get3A_103 = arith.index_cast %scan3A_54 : i32 to index
      %get3A_104 = arith.constant 80 : index
      %get3A_105 = tpu.vector_load %arg5[%get3A_103, %get3A_104] {strides = array<i32>} : memref<50x128xi32, #tpu.memory_space<vmem>>, vector<1x16xi32>,
      %get3A_106 = vector.shape_cast %get3A_105 : vector<1x16xi32> to vector<16xi32>
      %add3A_107 = arith.addi %get3A_106, %get3A_106 : vector<16xi32>
      %swap3A_108 = arith.index_cast %scan3A_54 : i32 to index
      %swap3A_109 = arith.constant 80 : index
      %swap3A_110 = tpu.vector_load %arg5[%swap3A_108, %swap3A_109] {strides = array<i32>} : memref<50x128xi32, #tpu.memory_space<vmem>>, vector<1x16xi32>,
      %swap3A_111 = vector.shape_cast %swap3A_110 : vector<1x16xi32> to vector<16xi32>
      %swap3A_112 = vector.shape_cast %add3A_107 : vector<16xi32> to vector<1x16xi32>
      tpu.vector_store %arg5[%swap3A_108, %swap3A_109], %swap3A_112 {strides = array<i32>} : memref<50x128xi32, #tpu.memory_space<vmem>>, vector<1x16xi32>,
      %get3A_113 = arith.index_cast %scan3A_54 : i32 to index
      %get3A_114 = arith.constant 96 : index
      %get3A_115 = tpu.vector_load %arg5[%get3A_113, %get3A_114] {strides = array<i32>} : memref<50x128xi32, #tpu.memory_space<vmem>>, vector<1x16xi32>,
      %get3A_116 = vector.shape_cast %get3A_115 : vector<1x16xi32> to vector<16xi32>
      %add3A_117 = arith.addi %get3A_116, %get3A_116 : vector<16xi32>
      %swap3A_118 = arith.index_cast %scan3A_54 : i32 to index
      %swap3A_119 = arith.constant 96 : index
      %swap3A_120 = tpu.vector_load %arg5[%swap3A_118, %swap3A_119] {strides = array<i32>} : memref<50x128xi32, #tpu.memory_space<vmem>>, vector<1x16xi32>,
      %swap3A_121 = vector.shape_cast %swap3A_120 : vector<1x16xi32> to vector<16xi32>
      %swap3A_122 = vector.shape_cast %add3A_117 : vector<16xi32> to vector<1x16xi32>
      tpu.vector_store %arg5[%swap3A_118, %swap3A_119], %swap3A_122 {strides = array<i32>} : memref<50x128xi32, #tpu.memory_space<vmem>>, vector<1x16xi32>,
      %get3A_123 = arith.index_cast %scan3A_54 : i32 to index
      %get3A_124 = arith.constant 112 : index
      %get3A_125 = tpu.vector_load %arg5[%get3A_123, %get3A_124] {strides = array<i32>} : memref<50x128xi32, #tpu.memory_space<vmem>>, vector<1x16xi32>,
      %get3A_126 = vector.shape_cast %get3A_125 : vector<1x16xi32> to vector<16xi32>
      %add3A_127 = arith.addi %get3A_126, %get3A_126 : vector<16xi32>
      %swap3A_128 = arith.index_cast %scan3A_54 : i32 to index
      %swap3A_129 = arith.constant 112 : index
      %swap3A_130 = tpu.vector_load %arg5[%swap3A_128, %swap3A_129] {strides = array<i32>} : memref<50x128xi32, #tpu.memory_space<vmem>>, vector<1x16xi32>,
      %swap3A_131 = vector.shape_cast %swap3A_130 : vector<1x16xi32> to vector<16xi32>
      %swap3A_132 = vector.shape_cast %add3A_127 : vector<16xi32> to vector<1x16xi32>
      tpu.vector_store %arg5[%swap3A_128, %swap3A_129], %swap3A_132 {strides = array<i32>} : memref<50x128xi32, #tpu.memory_space<vmem>>, vector<1x16xi32>,
    }
    %scan3A_7 = arith.constant 50 : i32
    %dma_start3A = arith.constant 0 : i32
    %dma_start3A_8 = arith.constant 0 : i32
    %dma_start3A_9 = arith.constant 0 : i32
    %dma_start3A_10 = arith.constant 0 : i32
    %dma_start3A_11 = tpu.memref_slice %arg6[%dma_start3A_8, %dma_start3A_9, %dma_start3A_10] : memref<2x128x64xf32, #tpu.memory_space<vmem>> -> memref<1x128x64xf32, #tpu.memory_space<vmem>>
    %dma_start3A_12 = tpu.memref_squeeze %dma_start3A_11 : memref<1x128x64xf32, #tpu.memory_space<vmem>> -> memref<128x64xf32, #tpu.memory_space<vmem>>
    %dma_start3A_13 = arith.constant 0 : i32
    %dma_start3A_14 = tpu.memref_slice %arg5[%dma_start3A, %dma_start3A_13] : memref<50x128xi32, #tpu.memory_space<vmem>> -> memref<1x128xi32, #tpu.memory_space<vmem>>
    %dma_start3A_15 = tpu.memref_squeeze %dma_start3A_14 : memref<1x128xi32, #tpu.memory_space<vmem>> -> memref<128xi32, #tpu.memory_space<vmem>>
    %dma_start3A_16 = arith.constant 0 : i32
    %dma_start3A_17 = arith.constant 0 : i32
    %dma_start3A_18 = tpu.memref_slice %arg3[%dma_start3A_16, %dma_start3A_17] : memref<2000000x64xf32, #tpu.memory_space<hbm>> -> memref<2000000x64xf32, #tpu.memory_space<hbm>>
    tpu.enqueue_indirect_dma source(%dma_start3A_18 : memref<2000000x64xf32, #tpu.memory_space<hbm>>) target(%dma_start3A_12 : memref<128x64xf32, #tpu.memory_space<vmem>>) offsets(%dma_start3A_15 : memref<128xi32, #tpu.memory_space<vmem>>) semaphore(%arg7 : memref<!tpu.dma_semaphore, #tpu.memory_space<semaphore_mem>>)
    %scan3A_19 = arith.constant 0 : i32
    %scan3A_20 = arith.constant 0 : i32
    %scan3A_21 = arith.constant 25 : i32
    %scan3A_22 = arith.addi %scan3A_20, %scan3A_21 : i32
    %scan3A_23 = arith.constant 1 : i32
    scf.for %scan3A_54 = %scan3A_20 to %scan3A_22 step %scan3A_23  : i32 {
      %mul3A_55 = arith.constant 2 : i32
      %mul3A_56 = arith.muli %mul3A_55, %scan3A_54 : i32
      %add3A_57 = arith.constant 0 : i32
      %add3A_58 = arith.addi %mul3A_56, %add3A_57 : i32
      %add3A_59 = arith.constant 1 : i32
      %add3A_60 = arith.addi %add3A_58, %add3A_59 : i32
      %lt3A = arith.constant 50 : i32
      %lt3A_61 = arith.cmpi slt, %add3A_60, %lt3A : i32
      %convert_element_type3A = arith.extui %lt3A_61 : i1 to i32
      %cond3A = arith.constant 0 : i32
      %cond3A_62 = arith.cmpi ne, %convert_element_type3A, %cond3A : i32
      scf.if %cond3A_62 {
        %ge3A = arith.constant 1 : i32
        %ge3A_128 = arith.cmpi sge, %add3A_58, %ge3A : i32
        %convert_element_type3A_129 = arith.extui %ge3A_128 : i1 to i32
        %cond3A_130 = arith.constant 0 : i32
        %cond3A_131 = arith.cmpi ne, %convert_element_type3A_129, %cond3A_130 : i32
        scf.if %cond3A_131 {
          %dma_wait3A_145 = arith.constant 1 : i32
          %dma_wait3A_146 = arith.constant 0 : i32
          %dma_wait3A_147 = arith.constant 0 : i32
          %dma_wait3A_148 = tpu.memref_slice %arg6[%dma_wait3A_145, %dma_wait3A_146, %dma_wait3A_147] : memref<2x128x64xf32, #tpu.memory_space<vmem>> -> memref<1x128x64xf32, #tpu.memory_space<vmem>>
          %dma_wait3A_149 = tpu.memref_squeeze %dma_wait3A_148 : memref<1x128x64xf32, #tpu.memory_space<vmem>> -> memref<128x64xf32, #tpu.memory_space<vmem>>
          %dma_wait3A_150 = arith.constant 0 : i32
          %dma_wait3A_151 = arith.constant 0 : i32
          %dma_wait3A_152 = tpu.memref_slice %arg4[%dma_wait3A_150, %dma_wait3A_151] : memref<204800x64xf32, #tpu.memory_space<hbm>> -> memref<128x64xf32, #tpu.memory_space<hbm>>
          %dma_wait3A_153 = arith.constant 0 : i32
          %dma_wait3A_154 = arith.constant 0 : i32
          %dma_wait3A_155 = tpu.memref_slice %arg4[%dma_wait3A_153, %dma_wait3A_154] : memref<204800x64xf32, #tpu.memory_space<hbm>> -> memref<128x64xf32, #tpu.memory_space<hbm>>
          %dma_wait3A_156 = arith.constant 0 : i32
          %dma_wait3A_157 = arith.constant 0 : i32
          %dma_wait3A_158 = tpu.memref_slice %arg6[%dma_wait3A_145, %dma_wait3A_156, %dma_wait3A_157] : memref<2x128x64xf32, #tpu.memory_space<vmem>> -> memref<1x128x64xf32, #tpu.memory_space<vmem>>
          %dma_wait3A_159 = tpu.memref_squeeze %dma_wait3A_158 : memref<1x128x64xf32, #tpu.memory_space<vmem>> -> memref<128x64xf32, #tpu.memory_space<vmem>>
          tpu.wait_dma2 semaphore(%arg10 : memref<!tpu.dma_semaphore, #tpu.memory_space<semaphore_mem>>) src(%dma_wait3A_159 : memref<128x64xf32, #tpu.memory_space<vmem>>) dst(%dma_wait3A_155 : memref<128x64xf32, #tpu.memory_space<hbm>>)
        } else {
        }
        %add3A_132 = arith.constant 1 : i32
        %add3A_133 = arith.addi %add3A_58, %add3A_132 : i32
        %dma_start3A_134 = arith.constant 1 : i32
        %dma_start3A_135 = arith.constant 0 : i32
        %dma_start3A_136 = arith.constant 0 : i32
        %dma_start3A_137 = tpu.memref_slice %arg6[%dma_start3A_134, %dma_start3A_135, %dma_start3A_136] : memref<2x128x64xf32, #tpu.memory_space<vmem>> -> memref<1x128x64xf32, #tpu.memory_space<vmem>>
        %dma_start3A_138 = tpu.memref_squeeze %dma_start3A_137 : memref<1x128x64xf32, #tpu.memory_space<vmem>> -> memref<128x64xf32, #tpu.memory_space<vmem>>
        %dma_start3A_139 = arith.constant 0 : i32
        %dma_start3A_140 = tpu.memref_slice %arg5[%add3A_133, %dma_start3A_139] : memref<50x128xi32, #tpu.memory_space<vmem>> -> memref<1x128xi32, #tpu.memory_space<vmem>>
        %dma_start3A_141 = tpu.memref_squeeze %dma_start3A_140 : memref<1x128xi32, #tpu.memory_space<vmem>> -> memref<128xi32, #tpu.memory_space<vmem>>
        %dma_start3A_142 = arith.constant 0 : i32
        %dma_start3A_143 = arith.constant 0 : i32
        %dma_start3A_144 = tpu.memref_slice %arg3[%dma_start3A_142, %dma_start3A_143] : memref<2000000x64xf32, #tpu.memory_space<hbm>> -> memref<2000000x64xf32, #tpu.memory_space<hbm>>
        tpu.enqueue_indirect_dma source(%dma_start3A_144 : memref<2000000x64xf32, #tpu.memory_space<hbm>>) target(%dma_start3A_138 : memref<128x64xf32, #tpu.memory_space<vmem>>) offsets(%dma_start3A_141 : memref<128xi32, #tpu.memory_space<vmem>>) semaphore(%arg8 : memref<!tpu.dma_semaphore, #tpu.memory_space<semaphore_mem>>)
      } else {
      }
      %dma_wait3A_63 = arith.constant 0 : i32
      %dma_wait3A_64 = arith.constant 0 : i32
      %dma_wait3A_65 = arith.constant 0 : i32
      %dma_wait3A_66 = tpu.memref_slice %arg6[%dma_wait3A_63, %dma_wait3A_64, %dma_wait3A_65] : memref<2x128x64xf32, #tpu.memory_space<vmem>> -> memref<1x128x64xf32, #tpu.memory_space<vmem>>
      %dma_wait3A_67 = tpu.memref_squeeze %dma_wait3A_66 : memref<1x128x64xf32, #tpu.memory_space<vmem>> -> memref<128x64xf32, #tpu.memory_space<vmem>>
      %dma_wait3A_68 = arith.constant 0 : i32
      %dma_wait3A_69 = tpu.memref_slice %arg5[%add3A_58, %dma_wait3A_68] : memref<50x128xi32, #tpu.memory_space<vmem>> -> memref<1x128xi32, #tpu.memory_space<vmem>>
      %dma_wait3A_70 = tpu.memref_squeeze %dma_wait3A_69 : memref<1x128xi32, #tpu.memory_space<vmem>> -> memref<128xi32, #tpu.memory_space<vmem>>
      %dma_wait3A_71 = arith.constant 0 : i32
      %dma_wait3A_72 = arith.constant 0 : i32
      %dma_wait3A_73 = tpu.memref_slice %arg3[%dma_wait3A_71, %dma_wait3A_72] : memref<2000000x64xf32, #tpu.memory_space<hbm>> -> memref<2000000x64xf32, #tpu.memory_space<hbm>>
      tpu.wait_indirect_dma semaphore(%arg7 : memref<!tpu.dma_semaphore, #tpu.memory_space<semaphore_mem>>) src(%dma_wait3A_73 : memref<2000000x64xf32, #tpu.memory_space<hbm>>) dst(%dma_wait3A_67 : memref<128x64xf32, #tpu.memory_space<vmem>>)
      %mul3A_74 = arith.constant 4096 : i32
      %mul3A_75 = arith.muli %add3A_58, %mul3A_74 : i32
      %add3A_76 = arith.addi %mul3A_75, %mul3A_2 : i32
      %dma_start3A_77 = arith.constant 0 : i32
      %dma_start3A_78 = arith.constant 0 : i32
      %dma_start3A_79 = arith.constant 0 : i32
      %dma_start3A_80 = tpu.memref_slice %arg6[%dma_start3A_77, %dma_start3A_78, %dma_start3A_79] : memref<2x128x64xf32, #tpu.memory_space<vmem>> -> memref<1x128x64xf32, #tpu.memory_space<vmem>>
      %dma_start3A_81 = tpu.memref_squeeze %dma_start3A_80 : memref<1x128x64xf32, #tpu.memory_space<vmem>> -> memref<128x64xf32, #tpu.memory_space<vmem>>
      %dma_start3A_82 = arith.constant 0 : i32
      %dma_start3A_83 = tpu.memref_slice %arg4[%add3A_76, %dma_start3A_82] : memref<204800x64xf32, #tpu.memory_space<hbm>> -> memref<128x64xf32, #tpu.memory_space<hbm>>
      %dma_start3A_84 = arith.constant 0 : i32
      %dma_start3A_85 = tpu.memref_slice %arg4[%add3A_76, %dma_start3A_84] : memref<204800x64xf32, #tpu.memory_space<hbm>> -> memref<128x64xf32, #tpu.memory_space<hbm>>
      %dma_start3A_86 = arith.constant 0 : i32
      %dma_start3A_87 = arith.constant 0 : i32
      %dma_start3A_88 = tpu.memref_slice %arg6[%dma_start3A_77, %dma_start3A_86, %dma_start3A_87] : memref<2x128x64xf32, #tpu.memory_space<vmem>> -> memref<1x128x64xf32, #tpu.memory_space<vmem>>
      %dma_start3A_89 = tpu.memref_squeeze %dma_start3A_88 : memref<1x128x64xf32, #tpu.memory_space<vmem>> -> memref<128x64xf32, #tpu.memory_space<vmem>>
      tpu.enqueue_dma source(%dma_start3A_89 : memref<128x64xf32, #tpu.memory_space<vmem>>) target(%dma_start3A_85 : memref<128x64xf32, #tpu.memory_space<hbm>>) target_semaphore(%arg9 : memref<!tpu.dma_semaphore, #tpu.memory_space<semaphore_mem>>)
      %mul3A_90 = arith.constant 2 : i32
      %mul3A_91 = arith.muli %mul3A_90, %scan3A_54 : i32
      %add3A_92 = arith.constant 1 : i32
      %add3A_93 = arith.addi %mul3A_91, %add3A_92 : i32
      %add3A_94 = arith.constant 1 : i32
      %add3A_95 = arith.addi %add3A_93, %add3A_94 : i32
      %lt3A_96 = arith.constant 50 : i32
      %lt3A_97 = arith.cmpi slt, %add3A_95, %lt3A_96 : i32
      %convert_element_type3A_98 = arith.extui %lt3A_97 : i1 to i32
      %cond3A_99 = arith.constant 0 : i32
      %cond3A_100 = arith.cmpi ne, %convert_element_type3A_98, %cond3A_99 : i32
      scf.if %cond3A_100 {
        %ge3A = arith.constant 1 : i32
        %ge3A_128 = arith.cmpi sge, %add3A_93, %ge3A : i32
        %convert_element_type3A_129 = arith.extui %ge3A_128 : i1 to i32
        %cond3A_130 = arith.constant 0 : i32
        %cond3A_131 = arith.cmpi ne, %convert_element_type3A_129, %cond3A_130 : i32
        scf.if %cond3A_131 {
          %dma_wait3A_145 = arith.constant 0 : i32
          %dma_wait3A_146 = arith.constant 0 : i32
          %dma_wait3A_147 = arith.constant 0 : i32
          %dma_wait3A_148 = tpu.memref_slice %arg6[%dma_wait3A_145, %dma_wait3A_146, %dma_wait3A_147] : memref<2x128x64xf32, #tpu.memory_space<vmem>> -> memref<1x128x64xf32, #tpu.memory_space<vmem>>
          %dma_wait3A_149 = tpu.memref_squeeze %dma_wait3A_148 : memref<1x128x64xf32, #tpu.memory_space<vmem>> -> memref<128x64xf32, #tpu.memory_space<vmem>>
          %dma_wait3A_150 = arith.constant 0 : i32
          %dma_wait3A_151 = arith.constant 0 : i32
          %dma_wait3A_152 = tpu.memref_slice %arg4[%dma_wait3A_150, %dma_wait3A_151] : memref<204800x64xf32, #tpu.memory_space<hbm>> -> memref<128x64xf32, #tpu.memory_space<hbm>>
          %dma_wait3A_153 = arith.constant 0 : i32
          %dma_wait3A_154 = arith.constant 0 : i32
          %dma_wait3A_155 = tpu.memref_slice %arg4[%dma_wait3A_153, %dma_wait3A_154] : memref<204800x64xf32, #tpu.memory_space<hbm>> -> memref<128x64xf32, #tpu.memory_space<hbm>>
          %dma_wait3A_156 = arith.constant 0 : i32
          %dma_wait3A_157 = arith.constant 0 : i32
          %dma_wait3A_158 = tpu.memref_slice %arg6[%dma_wait3A_145, %dma_wait3A_156, %dma_wait3A_157] : memref<2x128x64xf32, #tpu.memory_space<vmem>> -> memref<1x128x64xf32, #tpu.memory_space<vmem>>
          %dma_wait3A_159 = tpu.memref_squeeze %dma_wait3A_158 : memref<1x128x64xf32, #tpu.memory_space<vmem>> -> memref<128x64xf32, #tpu.memory_space<vmem>>
          tpu.wait_dma2 semaphore(%arg9 : memref<!tpu.dma_semaphore, #tpu.memory_space<semaphore_mem>>) src(%dma_wait3A_159 : memref<128x64xf32, #tpu.memory_space<vmem>>) dst(%dma_wait3A_155 : memref<128x64xf32, #tpu.memory_space<hbm>>)
        } else {
        }
        %add3A_132 = arith.constant 1 : i32
        %add3A_133 = arith.addi %add3A_93, %add3A_132 : i32
        %dma_start3A_134 = arith.constant 0 : i32
        %dma_start3A_135 = arith.constant 0 : i32
        %dma_start3A_136 = arith.constant 0 : i32
        %dma_start3A_137 = tpu.memref_slice %arg6[%dma_start3A_134, %dma_start3A_135, %dma_start3A_136] : memref<2x128x64xf32, #tpu.memory_space<vmem>> -> memref<1x128x64xf32, #tpu.memory_space<vmem>>
        %dma_start3A_138 = tpu.memref_squeeze %dma_start3A_137 : memref<1x128x64xf32, #tpu.memory_space<vmem>> -> memref<128x64xf32, #tpu.memory_space<vmem>>
        %dma_start3A_139 = arith.constant 0 : i32
        %dma_start3A_140 = tpu.memref_slice %arg5[%add3A_133, %dma_start3A_139] : memref<50x128xi32, #tpu.memory_space<vmem>> -> memref<1x128xi32, #tpu.memory_space<vmem>>
        %dma_start3A_141 = tpu.memref_squeeze %dma_start3A_140 : memref<1x128xi32, #tpu.memory_space<vmem>> -> memref<128xi32, #tpu.memory_space<vmem>>
        %dma_start3A_142 = arith.constant 0 : i32
        %dma_start3A_143 = arith.constant 0 : i32
        %dma_start3A_144 = tpu.memref_slice %arg3[%dma_start3A_142, %dma_start3A_143] : memref<2000000x64xf32, #tpu.memory_space<hbm>> -> memref<2000000x64xf32, #tpu.memory_space<hbm>>
        tpu.enqueue_indirect_dma source(%dma_start3A_144 : memref<2000000x64xf32, #tpu.memory_space<hbm>>) target(%dma_start3A_138 : memref<128x64xf32, #tpu.memory_space<vmem>>) offsets(%dma_start3A_141 : memref<128xi32, #tpu.memory_space<vmem>>) semaphore(%arg7 : memref<!tpu.dma_semaphore, #tpu.memory_space<semaphore_mem>>)
      } else {
      }
      %dma_wait3A_101 = arith.constant 1 : i32
      %dma_wait3A_102 = arith.constant 0 : i32
      %dma_wait3A_103 = arith.constant 0 : i32
      %dma_wait3A_104 = tpu.memref_slice %arg6[%dma_wait3A_101, %dma_wait3A_102, %dma_wait3A_103] : memref<2x128x64xf32, #tpu.memory_space<vmem>> -> memref<1x128x64xf32, #tpu.memory_space<vmem>>
      %dma_wait3A_105 = tpu.memref_squeeze %dma_wait3A_104 : memref<1x128x64xf32, #tpu.memory_space<vmem>> -> memref<128x64xf32, #tpu.memory_space<vmem>>
      %dma_wait3A_106 = arith.constant 0 : i32
      %dma_wait3A_107 = tpu.memref_slice %arg5[%add3A_93, %dma_wait3A_106] : memref<50x128xi32, #tpu.memory_space<vmem>> -> memref<1x128xi32, #tpu.memory_space<vmem>>
      %dma_wait3A_108 = tpu.memref_squeeze %dma_wait3A_107 : memref<1x128xi32, #tpu.memory_space<vmem>> -> memref<128xi32, #tpu.memory_space<vmem>>
      %dma_wait3A_109 = arith.constant 0 : i32
      %dma_wait3A_110 = arith.constant 0 : i32
      %dma_wait3A_111 = tpu.memref_slice %arg3[%dma_wait3A_109, %dma_wait3A_110] : memref<2000000x64xf32, #tpu.memory_space<hbm>> -> memref<2000000x64xf32, #tpu.memory_space<hbm>>
      tpu.wait_indirect_dma semaphore(%arg8 : memref<!tpu.dma_semaphore, #tpu.memory_space<semaphore_mem>>) src(%dma_wait3A_111 : memref<2000000x64xf32, #tpu.memory_space<hbm>>) dst(%dma_wait3A_105 : memref<128x64xf32, #tpu.memory_space<vmem>>)
      %mul3A_112 = arith.constant 4096 : i32
      %mul3A_113 = arith.muli %add3A_93, %mul3A_112 : i32
      %add3A_114 = arith.addi %mul3A_113, %mul3A_2 : i32
      %dma_start3A_115 = arith.constant 1 : i32
      %dma_start3A_116 = arith.constant 0 : i32
      %dma_start3A_117 = arith.constant 0 : i32
      %dma_start3A_118 = tpu.memref_slice %arg6[%dma_start3A_115, %dma_start3A_116, %dma_start3A_117] : memref<2x128x64xf32, #tpu.memory_space<vmem>> -> memref<1x128x64xf32, #tpu.memory_space<vmem>>
      %dma_start3A_119 = tpu.memref_squeeze %dma_start3A_118 : memref<1x128x64xf32, #tpu.memory_space<vmem>> -> memref<128x64xf32, #tpu.memory_space<vmem>>
      %dma_start3A_120 = arith.constant 0 : i32
      %dma_start3A_121 = tpu.memref_slice %arg4[%add3A_114, %dma_start3A_120] : memref<204800x64xf32, #tpu.memory_space<hbm>> -> memref<128x64xf32, #tpu.memory_space<hbm>>
      %dma_start3A_122 = arith.constant 0 : i32
      %dma_start3A_123 = tpu.memref_slice %arg4[%add3A_114, %dma_start3A_122] : memref<204800x64xf32, #tpu.memory_space<hbm>> -> memref<128x64xf32, #tpu.memory_space<hbm>>
      %dma_start3A_124 = arith.constant 0 : i32
      %dma_start3A_125 = arith.constant 0 : i32
      %dma_start3A_126 = tpu.memref_slice %arg6[%dma_start3A_115, %dma_start3A_124, %dma_start3A_125] : memref<2x128x64xf32, #tpu.memory_space<vmem>> -> memref<1x128x64xf32, #tpu.memory_space<vmem>>
      %dma_start3A_127 = tpu.memref_squeeze %dma_start3A_126 : memref<1x128x64xf32, #tpu.memory_space<vmem>> -> memref<128x64xf32, #tpu.memory_space<vmem>>
      tpu.enqueue_dma source(%dma_start3A_127 : memref<128x64xf32, #tpu.memory_space<vmem>>) target(%dma_start3A_123 : memref<128x64xf32, #tpu.memory_space<hbm>>) target_semaphore(%arg10 : memref<!tpu.dma_semaphore, #tpu.memory_space<semaphore_mem>>)
    }
    %scan3A_24 = arith.constant 25 : i32
    %dma_wait3A = arith.constant 0 : i32
    %dma_wait3A_25 = arith.constant 0 : i32
    %dma_wait3A_26 = arith.constant 0 : i32
    %dma_wait3A_27 = tpu.memref_slice %arg6[%dma_wait3A, %dma_wait3A_25, %dma_wait3A_26] : memref<2x128x64xf32, #tpu.memory_space<vmem>> -> memref<1x128x64xf32, #tpu.memory_space<vmem>>
    %dma_wait3A_28 = tpu.memref_squeeze %dma_wait3A_27 : memref<1x128x64xf32, #tpu.memory_space<vmem>> -> memref<128x64xf32, #tpu.memory_space<vmem>>
    %dma_wait3A_29 = arith.constant 0 : i32
    %dma_wait3A_30 = arith.constant 0 : i32
    %dma_wait3A_31 = tpu.memref_slice %arg4[%dma_wait3A_29, %dma_wait3A_30] : memref<204800x64xf32, #tpu.memory_space<hbm>> -> memref<128x64xf32, #tpu.memory_space<hbm>>
    %dma_wait3A_32 = arith.constant 0 : i32
    %dma_wait3A_33 = arith.constant 0 : i32
    %dma_wait3A_34 = tpu.memref_slice %arg4[%dma_wait3A_32, %dma_wait3A_33] : memref<204800x64xf32, #tpu.memory_space<hbm>> -> memref<128x64xf32, #tpu.memory_space<hbm>>
    %dma_wait3A_35 = arith.constant 0 : i32
    %dma_wait3A_36 = arith.constant 0 : i32
    %dma_wait3A_37 = tpu.memref_slice %arg6[%dma_wait3A, %dma_wait3A_35, %dma_wait3A_36] : memref<2x128x64xf32, #tpu.memory_space<vmem>> -> memref<1x128x64xf32, #tpu.memory_space<vmem>>
    %dma_wait3A_38 = tpu.memref_squeeze %dma_wait3A_37 : memref<1x128x64xf32, #tpu.memory_space<vmem>> -> memref<128x64xf32, #tpu.memory_space<vmem>>
    tpu.wait_dma2 semaphore(%arg9 : memref<!tpu.dma_semaphore, #tpu.memory_space<semaphore_mem>>) src(%dma_wait3A_38 : memref<128x64xf32, #tpu.memory_space<vmem>>) dst(%dma_wait3A_34 : memref<128x64xf32, #tpu.memory_space<hbm>>)
    %dma_wait3A_39 = arith.constant 1 : i32
    %dma_wait3A_40 = arith.constant 0 : i32
    %dma_wait3A_41 = arith.constant 0 : i32
    %dma_wait3A_42 = tpu.memref_slice %arg6[%dma_wait3A_39, %dma_wait3A_40, %dma_wait3A_41] : memref<2x128x64xf32, #tpu.memory_space<vmem>> -> memref<1x128x64xf32, #tpu.memory_space<vmem>>
    %dma_wait3A_43 = tpu.memref_squeeze %dma_wait3A_42 : memref<1x128x64xf32, #tpu.memory_space<vmem>> -> memref<128x64xf32, #tpu.memory_space<vmem>>
    %dma_wait3A_44 = arith.constant 0 : i32
    %dma_wait3A_45 = arith.constant 0 : i32
    %dma_wait3A_46 = tpu.memref_slice %arg4[%dma_wait3A_44, %dma_wait3A_45] : memref<204800x64xf32, #tpu.memory_space<hbm>> -> memref<128x64xf32, #tpu.memory_space<hbm>>
    %dma_wait3A_47 = arith.constant 0 : i32
    %dma_wait3A_48 = arith.constant 0 : i32
    %dma_wait3A_49 = tpu.memref_slice %arg4[%dma_wait3A_47, %dma_wait3A_48] : memref<204800x64xf32, #tpu.memory_space<hbm>> -> memref<128x64xf32, #tpu.memory_space<hbm>>
    %dma_wait3A_50 = arith.constant 0 : i32
    %dma_wait3A_51 = arith.constant 0 : i32
    %dma_wait3A_52 = tpu.memref_slice %arg6[%dma_wait3A_39, %dma_wait3A_50, %dma_wait3A_51] : memref<2x128x64xf32, #tpu.memory_space<vmem>> -> memref<1x128x64xf32, #tpu.memory_space<vmem>>
    %dma_wait3A_53 = tpu.memref_squeeze %dma_wait3A_52 : memref<1x128x64xf32, #tpu.memory_space<vmem>> -> memref<128x64xf32, #tpu.memory_space<vmem>>
    tpu.wait_dma2 semaphore(%arg10 : memref<!tpu.dma_semaphore, #tpu.memory_space<semaphore_mem>>) src(%dma_wait3A_53 : memref<128x64xf32, #tpu.memory_space<vmem>>) dst(%dma_wait3A_49 : memref<128x64xf32, #tpu.memory_space<hbm>>)
    return
  }
}

</mosaic_0001>

<sc_bundles>
// kernel: kernel.3.cloned.1.call-start
scs
__scs_entry_jumppad:
0x0: {  	(pc) =	sbr.rel $0x88, $3  }
0x1: {  	(tag) =	ssettag $0x0;
	lr =	simm.s32 $0x1  }
0x2: {  	[smem:$0x3F9F] =	sst lr;
	_ =	strace $0xD0000000  }
0x3: {  	_ = 	snop  }
0x4: {  	_ = 	snop  }
0x5: {  	_ = 	snop  }
0x6: {  	_ = 	snop  }
0x7: {  	_ = 	snop  }
__scs_overlays_trampoline_lowered:
0x8: {  	[smem:$0x3FAE] =	sst s0  }
0x9: {  	[smem:$0x3FAF] =	sst s1  }
0xa: {  	[smem:$0x3FB0] =	sst s2  }
0xb: {  	[smem:$0x3FB1] =	sst s3  }
0xc: {  	[smem:$0x3FB2] =	sst s4  }
0xd: {  	[smem:$0x3FB3] =	sst s5  }
0xe: {  	[smem:$0x3FB4] =	sst s6  }
0xf: {  	[smem:$0x3FB5] =	sst s7  }
0x10: {  	[smem:$0x3FB6] =	sst s8  }
0x11: {  	[smem:$0x3FB7] =	sst s9;
	s0 =	simm.s32 @!p0 $0x0  }
0x12: {  	s1 =	sld [smem:$0x3F9D];
	s0 =	simm.s32 @p0 $0x1  }
0x13: {  	[smem:$0x3FB8] =	sst s0;
	s0 =	simm.s32 @!p1 $0x0  }
0x14: {  	s2 =	sld [smem:$0x3F9C];
	s0 =	simm.s32 @p1 $0x1  }
0x15: {  	[smem:$0x3FB9] =	sst s0;
	s0 =	simm.s32 @!p2 $0x0  }
0x16: {  	s3 =	sld [smem:$0x3FDB];
	s0 =	simm.s32 @p2 $0x1  }
0x17: {  	s4 =	simm.s32 $0x1BF5;
	[smem:$0x3FBB] =	sst s0  }
0x18: {  	s0 =	sld [smem:$0x3F9E];
	_ =	swait.ge [sflag:s4], $0x0  }
0x19: {  	s7 =	sld [smem:$0x3F9F]  }
0x1a: {  	s8 =	sadd.s32 $0xFFFFE003, lr  }
0x1b: {  	s9 =	sadd.s32 $0xFFFFFEF7, lr;
	s5 =	simm.s32 $0xFFFFFFFF;
	p2 =	slt.u32 s8, $0xFFFFF086  }
0x1c: {  	p1 =	slt.u32 s9, $0xF7A;
	s5 =	simm.s32 @!p2 $0x0  }
0x1d: {  	s5 =	simm.s32 @p1 $0x1;
	p0 =	seq.s32 s7, s2  }
0x1e: {  	s7 =	smul.u32 @!p0 $0xF7A, s2;
	p2 =	seq.s32 @!p0 s5, $0x0  }
0x1f: {  	s9 =	smul.u32 $0xF7A, s1;
	s8 =	simm.s32 @!p0 $0x1BF5;
	p2 =	por !p2, p0  }
0x20: {  	[sflag:s8] =	ssyncset.s32 @!p0 $0xFFFFF086;
	s6 =	sadd.s32 @!p0 s3, s7;
	s7 =	simm.s32 @!p0 $0x108  }
0x21: {  	s3 =	sadd.s32 s3, s9;
	s6 =	sadd.s32 @!p0 $0x88, s6;
	s7 =	simm.s32 @p2 $0x1082  }
0x22: {  	[simem:s7], [sflag:s8] =	dma.local @!p0 [hbm:s6], $0xF7A  }
0x23: {  	s9 =	sor.u32 $0xD0000000, s2;
	s6 =	simm.s32 $0x108;
	_ =	swait.ge @!p0 [sflag:s8], $0x0  }
0x24: {  	s3 =	sadd.s32 $0x88, s3;
	s6 =	simm.s32 @!p1 $0x1082;
	[sflag:s4] =	ssyncset.s32 $0xFFFFF086  }
0x25: {  	[simem:s6], [sflag:s4] =	dma.local [hbm:s3], $0xF7A  }
0x26: {  	[smem:$0x3F9F] =	sst s1;
	(tag) =	ssettag s2;
	_ =	strace s9  }
0x27: {  	s1 =	sld [smem:$0x3FAF]  }
0x28: {  	s2 =	sld [smem:$0x3FB0]  }
0x29: {  	s4 =	sld [smem:$0x3FB2]  }
0x2a: {  	p0 =	seq.s32 s5, $0x0;
	s5 =	sld [smem:$0x3FB3]  }
0x2b: {  	s6 =	sld [smem:$0x3FB4]  }
0x2c: {  	s7 =	sld [smem:$0x3FB5]  }
0x2d: {  	s3 =	simm.s32 $0x108;
	s8 =	sld [smem:$0x3FB6]  }
0x2e: {  	s3 =	simm.s32 @!p0 $0x1082;
	s9 =	sld [smem:$0x3FB7]  }
0x2f: {  	lr =	sadd.s32 s0, s3;
	s0 =	sld [smem:$0x3FAE]  }
0x30: {  	s3 =	sld [smem:$0x3FB1]  }
0x31: {  	[smem:$0x3FBA] =	sst s10  }
0x32: {  	s10 =	sld [smem:$0x3FB8];
	_ =	sdelay $0x3  }
0x33: {  	p0 =	seq.s32 s10, $0x1;
	s10 =	sld [smem:$0x3FBA];
	_ =	sdelay $0x3  }
0x34: {  	[smem:$0x3FBA] =	sst s10  }
0x35: {  	s10 =	sld [smem:$0x3FB9];
	_ =	sdelay $0x3  }
0x36: {  	p1 =	seq.s32 s10, $0x1;
	s10 =	sld [smem:$0x3FBA];
	_ =	sdelay $0x3  }
0x37: {  	[smem:$0x3FBA] =	sst s10  }
0x38: {  	s10 =	sld [smem:$0x3FBB]  }
0x39: {  	_ = 	snop;
	(pc) =	sbr.ind lr, $3  }
0x3a: {  	_ = 	snop  }
0x3b: {  	_ = 	snop  }
0x3c: {  	p2 =	seq.s32 s10, $0x1;
	s10 =	sld [smem:$0x3FBA]  }
0x3d: {  	_ =	shalt  }
0x3e: {  	_ =	shalt  }
0x3f: {  	_ =	shalt  }
0x40: {  	_ =	shalt  }
0x41: {  	_ =	shalt  }
0x42: {  	_ =	shalt  }
0x43: {  	_ =	shalt  }
0x44: {  	_ =	shalt  }
0x45: {  	_ =	shalt  }
0x46: {  	_ =	shalt  }
0x47: {  	_ =	shalt  }
0x48: {  	_ =	shalt  }
0x49: {  	_ =	shalt  }
0x4a: {  	_ =	shalt  }
0x4b: {  	_ =	shalt  }
0x4c: {  	_ =	shalt  }
0x4d: {  	_ =	shalt  }
0x4e: {  	_ =	shalt  }
0x4f: {  	_ =	shalt  }
0x50: {  	_ =	shalt  }
0x51: {  	_ =	shalt  }
0x52: {  	_ =	shalt  }
0x53: {  	_ =	shalt  }
0x54: {  	_ =	shalt  }
0x55: {  	_ =	shalt  }
0x56: {  	_ =	shalt  }
0x57: {  	_ =	shalt  }
0x58: {  	_ =	shalt  }
0x59: {  	_ =	shalt  }
0x5a: {  	_ =	shalt  }
0x5b: {  	_ =	shalt  }
0x5c: {  	_ =	shalt  }
0x5d: {  	_ =	shalt  }
0x5e: {  	_ =	shalt  }
0x5f: {  	_ =	shalt  }
0x60: {  	_ =	shalt  }
0x61: {  	_ =	shalt  }
0x62: {  	_ =	shalt  }
0x63: {  	_ =	shalt  }
0x64: {  	_ =	shalt  }
0x65: {  	_ =	shalt  }
0x66: {  	_ =	shalt  }
0x67: {  	_ =	shalt  }
0x68: {  	_ =	shalt  }
0x69: {  	_ =	shalt  }
0x6a: {  	_ =	shalt  }
0x6b: {  	_ =	shalt  }
0x6c: {  	_ =	shalt  }
0x6d: {  	_ =	shalt  }
0x6e: {  	_ =	shalt  }
0x6f: {  	_ =	shalt  }
0x70: {  	_ =	shalt  }
0x71: {  	_ =	shalt  }
0x72: {  	_ =	shalt  }
0x73: {  	_ =	shalt  }
0x74: {  	_ =	shalt  }
0x75: {  	_ =	shalt  }
0x76: {  	_ =	shalt  }
0x77: {  	_ =	shalt  }
0x78: {  	_ =	shalt  }
0x79: {  	_ =	shalt  }
0x7a: {  	_ =	shalt  }
0x7b: {  	_ =	shalt  }
0x7c: {  	_ =	shalt  }
0x7d: {  	_ =	shalt  }
0x7e: {  	_ =	shalt  }
0x7f: {  	_ =	shalt  }
0x80: {  	_ =	shalt  }
0x81: {  	_ =	shalt  }
0x82: {  	_ =	shalt  }
0x83: {  	_ =	shalt  }
0x84: {  	_ =	shalt  }
0x85: {  	_ =	shalt  }
0x86: {  	_ =	shalt  }
0x87: {  	_ =	shalt  }
.Lfunc_end0:
.L_simem_size_0:
called_computation.2_lowered:
.L_overlay_start_0:
0x88: {  	s2 =	sld [smem:$0x3FD9]  }
0x89: {  	s3 =	sld [smem:$0x3FFE];
	_ =	sdelay $0x1  }
0x8a: {  	s1 =	srdreg.scid  }
0x8b: {  	s0 =	sand.u32 $0x1, s1  }
0x8c: {  	s17 =	sshll.u32 s0, $0xA;
	s2 =	sadd.s32 s3, s2  }
0x8d: {  	s2 =	sadd.s32 s2, s17  }
0x8e: {  	[smem:$0x3FC6] =	sst s2  }
0x8f: {  	_ = 	snop  }
0x90: {  	s2 =	sld [smem:$0x3FD0];
	(tm) =	ssettm $0x1  }
0x91: {  	s18 =	sld [smem:$0x3FFB];
	_ =	sdelay $0x3  }
0x92: {  	_ =	strace s18  }
0x93: {  	s3 =	sld [smem:$0x3FFC];
	_ =	sdelay $0x3  }
0x94: {  	_ =	strace s3  }
0x95: {  	s3 =	sld [smem:$0x3FFD];
	_ =	sdelay $0x3  }
0x96: {  	_ =	strace s3  }
0x97: {  	_ =	strace $0x8FFFFFFF  }
0x98: {  	s19 =	sld [smem:$0x3FDB];
	_ =	sdelay $0x1  }
0x99: {  	s4 =	simm.s32 $_scs_section_size  }
0x9a: {  	s5 =	simm.s32 $_size__tile_overlayer_lowered;
	s6 =	simm.s32 $_tile_overlayer_lowered  }
0x9b: {  	s22 =	simm.s32 $0x1BFF;
	s21 =	sshll.u32 s6, $0x1;
	s3 =	sadd.s32 s4, s19  }
0x9c: {  	s7 =	simm.s32 $0x0;
	s20 =	sshll.u32 s5, $0x1;
	s5 =	sadd.s32 s21, s3  }
0x9d: {  	[timem:s7], [sflag:s22] =	dma.local [hbm:s5], s20  }
0x9e: {  	_ =	swait.ge [sflag:s22], s20  }
0x9f: {  	s4 =	ssub.s32 $0x0, s20;
	[sflag:s22] =	ssyncset.done $0x0  }
0xa0: {  	[sflag:s22] =	ssyncadd.s32 s4;
	_ =	sdelay $0x1  }
0xa1: {  	s23 =	simm.s32 $0x1B8B  }
0xa2: {  	_ =	swait.ge [sflag:s23], $0x1  }
0xa3: {  	[sflag:s23] =	ssyncset.done $0x0  }
0xa4: {  	s25 =	simm.s32 $0x1B8E;
	s24 =	sld [smem:$0x3FFE];
	[sflag:s23] =	ssyncadd.s32 $0xFFFFFFFF  }
0xa5: {  	s26 =	simm.s32 $execute0_lowered;
	[smem:$0x3FD2] =	sst s25  }
0xa6: {  	s5 =	sshll.u32 s26, $0x1;
	_ =	strace $0x80000049;
	[dreg:$0x1] =	wrdreg $0xFFFFFFFF  }
0xa7: {  	s28 =	simm.s32 $_size_execute0_lowered;
	s3 =	sadd.s32 s3, s5;
	[dreg:$0x0] =	wrdreg $0x0  }
0xa8: {  	s5 =	sshll.u32 s28, $0x1;
	[dreg:$0x2] =	wrdreg s3  }
0xa9: {  	[dreg:$0x3] =	wrdreg s5  }
0xaa: {  	[dreg:$0x4] =	wrdreg $0xC0  }
0xab: {  	_ =	task [dreg:s7], $0x5FFFF  }
0xac: {  	[dreg:$0x1] =	wrdreg $0xFFFFFFFF  }
0xad: {  	[dreg:$0x0] =	wrdreg $0x60  }
0xae: {  	[dreg:$0x2] =	wrdreg s24  }
0xaf: {  	[dreg:$0x3] =	wrdreg s2  }
0xb0: {  	[dreg:$0x4] =	wrdreg $0x9  }
0xb1: {  	_ =	task.clear_ibuf [dreg:s7], $0x5FFFF;
	_ =	strace $0x90000049  }
0xb2: {  	s29 =	simm.s32 $0x9;
	_ =	strace $0x8000004B  }
0xb3: {  	_ =	swait.ge [sflag:s29], $0x1  }
0xb4: {  	[sflag:s29] =	ssyncadd.s32 $0xFFFFFFFF  }
0xb5: {  	_ =	strace $0x9000004B  }
0xb6: {  	_ =	sfence  }
0xb7: {  	s30 =	sld [smem:$0x0];
	_ =	sdelay $0x2  }
0xb8: {  	s31 =	sshll.u32 s1, $0xD;
	s1 =	sshrl.u32 s1, $0x2  }
0xb9: {  	s3 =	sand.u32 $0x4000, s31;
	s1 =	sadd.s32 s1, s30  }
0xba: {  	s0 =	sor.u32 s3, s0;
	s1 =	sshll.u32 s1, $0x11  }
0xbb: {  	s0 =	sor.u32 s1, s0  }
0xbc: {  	s0 =	sadd.s32 $0x8F2B, s0  }
0xbd: {  	[sflag:s0] =	ssyncadd.remote.s32 $0x1  }
0xbe: {  	_ =	sfence.sel $0xFFFF  }
0xbf: {  	[dreg:$0x0] =	wrdreg $0xFFFFFFFF;
	(pc) =	sbr.abs _section_cstart, $3  }
0xc0: {  	[dreg:$0x1] =	wrdreg $0xFFFFFFFF  }
0xc1: {  	_ =	task.clear_ibuf [dreg:s7], $0x2FFFF;
	_ =	strace $0x9FFFFFFF  }
0xc2: {  	(tm) =	ssettm $0x7FFFFFFF  }
0xc3: {  	_ =	shalt  }
tec
execute0_lowered:
.L_overlay_start_1:
0x0: {  	(tag) =	ssettag $0x1  }
0x1: {  	s3 =	rddreg [dreg:$0x0]  }
0x2: {  	s6 =	rddreg [dreg:$0x1];
	s2 =	srdreg.scid  }
0x3: {  	s0 =	rddreg [dreg:$0x2];
	s1 =	stileid.u32;
	s11 =	simm.s32 $0x80  }
0x4: {  	s12 =	simm.s32 $0x1000;
	s13 =	simm.s32 $0x5;
	s14 =	simm.s32 $0x1900  }
0x5: {  	s15 =	simm.s32 $0x3900;
	s16 =	simm.s32 $0x1;
	s17 =	simm.s32 $0x3  }
0x6: {  	s18 =	simm.s32 $0x100;
	s19 =	simm.s32 $0x2;
	s20 =	simm.s32 $0x4  }
0x7: {  	s21 =	simm.s32 $0x1880;
	s22 =	simm.s32 $0x0;
	s7 =	sand.u32 $0x1, s2  }
0x8: {  	s2 =	simm.s32 $0x0;
	s4 =	sshll.u32 s1, $0x8;
	s31 =	sshll.u32 s1, $0xB  }
0x9: {  	s5 =	sshll.u32 s7, $0x7;
	[smem:$0x7FF] =	sst s2;
	s30 =	ssub.s32 $0x2, s7  }
0xa: {  	s10 =	sshll.u32 s7, $0xA;
	s5 =	sor.u32 s5, s4;
	s9 =	sshrl.u32 s30, $0x1  }
0xb: {  	_ =	strace $0x8000004A;
	s8 =	sshrl.u32 s5, $0x3;
	s9 =	ssub.s32 s30, s9  }
0xc: {  	s5 =	sshll.u32 s5, $0x3;
	s8 =	sadd.s32 s8, s3;
	s3 =	sadd.s32 $0xF49600, s3  }
0xd: {  	s5 =	sadd.s32 s6, s5;
	s4 =	sadd.s32 $0xF43200, s8;
	s8 =	sadd.s32 s31, s6  }
0xe: {  	s6 =	smax.u32 s9, $0x1;
	s7 =	sadd.s32 $0x8000, s5;
	s10 =	sadd.s32 s10, s8  }
0xf: {  	s9 =	sadd.s32 $0x188000, s5;
	s8 =	sadd.s32 $0x180000, s5;
	s10 =	sadd.s32 $0x10000, s10  }
.LBB2_1:
0x10: {  	[tilespmem:s2], [sflag:$0x5] =	stream.strided.gather [hbm4b:s4+s11], $0x1900, s12, s11, $0x38;
	[tilespmem:$0x5900] =	vst v63  }
0x11: {  	_ =	swait.ge [sflag:s13], $0x1900  }
0x12: {  	[sflag:s13] =	ssyncset.done $0x0  }
0x13: {  	s23 =	simm.s32 $0x0;
	[sflag:s13] =	ssyncadd.s32 $0xFFFFE700  }
0x14: {  	v2 =	vld [tilespmem:s23+$0x0]  }
0x15: {  	v4 =	vld [tilespmem:s23+$0x10]  }
0x16: {  	v3 =	vld [tilespmem:s23+$0x20]  }
0x17: {  	v1 =	vld [tilespmem:s23+$0x30]  }
0x18: {  	v0 =	vld [tilespmem:s23+$0x40]  }
0x19: {  	v5 =	vshll.u32 v2, $0x1;
	v2 =	vld [tilespmem:s23+$0x50]  }
0x1a: {  	s24 =	simm.s32 $0x200;
	[tilespmem:s23+$0x0] =	vst v5;
	v5 =	vshll.u32 v4, $0x1;
	v4 =	vld [tilespmem:s23+$0x60]  }
.LBB2_2:
0x1b: {  	s25 =	sshra.s32 s24, $0x2;
	p0 =	sne.s32 s24, $0x6200;
	[tilespmem:s23+$0x10] =	vst v5;
	v3 =	vshll.u32 v3, $0x1;
	v5 =	vld [tilespmem:s23+$0x70]  }
0x1c: {  	v6 =	vld [tilespmem:s25+$0x0];
	[tilespmem:s23+$0x20] =	vst v3;
	v1 =	vshll.u32 v1, $0x1  }
0x1d: {  	v7 =	vld [tilespmem:s25+$0x10];
	[tilespmem:s23+$0x30] =	vst v1;
	v0 =	vshll.u32 v0, $0x1  }
.Ltmp0:
0x1e: {  	v3 =	vld [tilespmem:s25+$0x20];
	[tilespmem:s23+$0x40] =	vst v0;
	v0 =	vshll.u32 v2, $0x1;
	(pc) =	sbr.rel @p0 .LBB2_2-.Ltmp0, $4  }
0x1f: {  	v1 =	vld [tilespmem:s25+$0x30];
	[tilespmem:s23+$0x50] =	vst v0;
	v2 =	vshll.u32 v4, $0x1  }
0x20: {  	v0 =	vld [tilespmem:s25+$0x40];
	[tilespmem:s23+$0x60] =	vst v2;
	v4 =	vshll.u32 v5, $0x1  }
0x21: {  	v5 =	vshll.u32 v6, $0x1;
	v2 =	vld [tilespmem:s25+$0x50];
	[tilespmem:s23+$0x70] =	vst v4;
	s23 =	smov.u32 s25  }
0x22: {  	s24 =	sadd.s32 $0x200, s24;
	[tilespmem:s23+$0x0] =	vst v5;
	v5 =	vshll.u32 v7, $0x1;
	v4 =	vld [tilespmem:s23+$0x60]  }
0x23: {  	[tilespmem:s23+$0x10] =	vst v5;
	v3 =	vshll.u32 v3, $0x1;
	v60 =	vld [tilespmem:s23+$0x70]  }
0x24: {  	[tilespmem:s23+$0x20] =	vst v3;
	v1 =	vshll.u32 v1, $0x1  }
0x25: {  	[tilespmem:s23+$0x30] =	vst v1;
	v0 =	vshll.u32 v0, $0x1  }
0x26: {  	[tilespmem:s23+$0x40] =	vst v0;
	v61 =	vshll.u32 v2, $0x1  }
0x27: {  	[tilespmem:s23+$0x50] =	vst v61;
	v62 =	vshll.u32 v4, $0x1  }
0x28: {  	[tilespmem:s23+$0x60] =	vst v62;
	v63 =	vshll.u32 v60, $0x1  }
0x29: {  	s29 =	simm.s32 $0x0;
	[tilespmem:s23+$0x70] =	vst v63  }
0x2a: {  	[tilespmem:s14], [sflag:$0x1] =	stream.indirect.gather [hbm4b:s3+s11], $0x40, s29, s11, $0xb8;
	[tilespmem:$0x5900] =	vst v63  }
0x2b: {  	_ = 	snop  }
0x2c: {  	[tilespmem:s15], [sflag:$0x2] =	stream.indirect.gather [hbm4b:s3+s11], $0x40, s11, s11, $0xb8;
	[tilespmem:$0x5900] =	vst v63  }
0x2d: {  	_ =	swait.ge [sflag:s16], $0x2000  }
0x2e: {  	[sflag:s16] =	ssyncset.done $0x0  }
0x2f: {  	[sflag:s16] =	ssyncadd.s32 $0xFFFFE000  }
0x30: {  	[hbm4b:s5+s29] =	stream.linear.scatter [tilespmem:s14], [sflag:$0x3], $0x2000, $0x38;
	[tilespmem:$0x5900] =	vst v63  }
0x31: {  	_ =	swait.ge [sflag:s17], $0x2000  }
0x32: {  	[sflag:s17] =	ssyncset.done $0x0  }
0x33: {  	[sflag:s17] =	ssyncadd.s32 $0xFFFFE000  }
0x34: {  	[tilespmem:s14], [sflag:$0x1] =	stream.indirect.gather [hbm4b:s3+s11], $0x40, s18, s11, $0xb8;
	[tilespmem:$0x5900] =	vst v63  }
0x35: {  	_ =	swait.ge [sflag:s19], $0x2000  }
0x36: {  	[sflag:s19] =	ssyncset.done $0x0  }
0x37: {  	[sflag:s19] =	ssyncadd.s32 $0xFFFFE000  }
0x38: {  	[hbm4b:s7+s29] =	stream.linear.scatter [tilespmem:s15], [sflag:$0x4], $0x2000, $0x38;
	[tilespmem:$0x5900] =	vst v63  }
0x39: {  	_ =	swait.ge [sflag:s20], $0x2000  }
0x3a: {  	[sflag:s20] =	ssyncset.done $0x0  }
0x3b: {  	s30 =	simm.s32 $0x180;
	[sflag:s20] =	ssyncadd.s32 $0xFFFFE000  }
0x3c: {  	[tilespmem:s15], [sflag:$0x2] =	stream.indirect.gather [hbm4b:s3+s11], $0x40, s30, s11, $0xb8;
	[tilespmem:$0x5900] =	vst v63  }
0x3d: {  	_ =	swait.ge [sflag:s16], $0x2000  }
0x3e: {  	[sflag:s16] =	ssyncset.done $0x0  }
0x3f: {  	[sflag:s16] =	ssyncadd.s32 $0xFFFFE000  }
0x40: {  	[hbm4b:s10+s2] =	stream.linear.scatter [tilespmem:s14], [sflag:$0x3], $0x2000, $0x38;
	[tilespmem:$0x5900] =	vst v63  }
0x41: {  	_ =	swait.ge [sflag:s17], $0x2000  }
0x42: {  	[sflag:s17] =	ssyncset.done $0x0  }
0x43: {  	s31 =	simm.s32 $0x200;
	[sflag:s17] =	ssyncadd.s32 $0xFFFFE000  }
0x44: {  	[tilespmem:s14], [sflag:$0x1] =	stream.indirect.gather [hbm4b:s3+s11], $0x40, s31, s11, $0xb8;
	[tilespmem:$0x5900] =	vst v63  }
0x45: {  	_ =	swait.ge [sflag:s19], $0x2000  }
0x46: {  	s25 =	sadd.s32 $0x8000, s10;
	[sflag:s19] =	ssyncset.done $0x0  }
0x47: {  	s24 =	sadd.s32 $0x10000, s10;
	s23 =	simm.s32 $0x400;
	[sflag:s19] =	ssyncadd.s32 $0xFFFFE000  }
.LBB2_4:
0x48: {  	[hbm4b:s25+s2] =	stream.linear.scatter [tilespmem:s15], [sflag:$0x4], $0x2000, $0x38;
	[tilespmem:$0x5900] =	vst v63  }
0x49: {  	s25 =	smov.u32 s23  }
0x4a: {  	p0 =	sne.s32 s23, $0x5800;
	s23 =	sadd.s32 $0x400, s23;
	_ =	swait.ge [sflag:s20], $0x2000  }
0x4b: {  	s25 =	sshra.s32 s25, $0x2;
	[sflag:s20] =	ssyncset.done $0x0  }
0x4c: {  	s26 =	sadd.s32 $0x180, s25;
	[sflag:s20] =	ssyncadd.s32 $0xFFFFE000  }
0x4d: {  	[tilespmem:s15], [sflag:$0x2] =	stream.indirect.gather [hbm4b:s3+s11], $0x40, s26, s11, $0xb8;
	[tilespmem:$0x5900] =	vst v63  }
0x4e: {  	_ =	swait.ge [sflag:s16], $0x2000  }
0x4f: {  	[sflag:s16] =	ssyncset.done $0x0  }
0x50: {  	[sflag:s16] =	ssyncadd.s32 $0xFFFFE000  }
0x51: {  	[hbm4b:s24+s2] =	stream.linear.scatter [tilespmem:s14], [sflag:$0x3], $0x2000, $0x38;
	[tilespmem:$0x5900] =	vst v63  }
0x52: {  	_ =	swait.ge [sflag:s17], $0x2000  }
0x53: {  	[sflag:s17] =	ssyncset.done $0x0  }
.Ltmp1:
0x54: {  	s25 =	sadd.s32 $0x200, s25;
	[sflag:s17] =	ssyncadd.s32 $0xFFFFE000;
	(pc) =	sbr.rel @p0 .LBB2_4-.Ltmp1, $4  }
0x55: {  	[tilespmem:s14], [sflag:$0x1] =	stream.indirect.gather [hbm4b:s3+s11], $0x40, s25, s11, $0xb8;
	[tilespmem:$0x5900] =	vst v63  }
0x56: {  	_ =	swait.ge [sflag:s19], $0x2000  }
0x57: {  	[sflag:s19] =	ssyncset.done $0x0  }
0x58: {  	s25 =	sadd.s32 $0x8000, s24;
	s24 =	sadd.s32 $0x10000, s24;
	[sflag:s19] =	ssyncadd.s32 $0xFFFFE000  }
0x59: {  	[hbm4b:s25+s2] =	stream.linear.scatter [tilespmem:s15], [sflag:$0x4], $0x2000, $0x38;
	[tilespmem:$0x5900] =	vst v63  }
0x5a: {  	_ =	swait.ge [sflag:s20], $0x2000  }
0x5b: {  	[sflag:s20] =	ssyncset.done $0x0  }
0x5c: {  	[sflag:s20] =	ssyncadd.s32 $0xFFFFE000  }
0x5d: {  	[tilespmem:s15], [sflag:$0x2] =	stream.indirect.gather [hbm4b:s3+s11], $0x40, s21, s11, $0xb8;
	[tilespmem:$0x5900] =	vst v63  }
0x5e: {  	_ =	swait.ge [sflag:s16], $0x2000  }
0x5f: {  	[sflag:s16] =	ssyncset.done $0x0  }
0x60: {  	[sflag:s16] =	ssyncadd.s32 $0xFFFFE000  }
0x61: {  	[hbm4b:s8+s2] =	stream.linear.scatter [tilespmem:s14], [sflag:$0x3], $0x2000, $0x38;
	[tilespmem:$0x5900] =	vst v63  }
0x62: {  	_ =	swait.ge [sflag:s19], $0x2000  }
0x63: {  	[sflag:s19] =	ssyncset.done $0x0  }
0x64: {  	s22 =	sadd.s32 $0x1, s22;
	[sflag:s19] =	ssyncadd.s32 $0xFFFFE000  }
0x65: {  	[hbm4b:s9+s2] =	stream.linear.scatter [tilespmem:s15], [sflag:$0x4], $0x2000, $0x38;
	[tilespmem:$0x5900] =	vst v63  }
0x66: {  	p0 =	sne.s32 s22, s6;
	_ =	swait.ge [sflag:s17], $0x2000  }
.Ltmp2:
0x67: {  	[sflag:s17] =	ssyncset.done $0x0;
	(pc) =	sbr.rel @p0 .LBB2_1-.Ltmp2, $4  }
0x68: {  	[sflag:s17] =	ssyncadd.s32 $0xFFFFE000  }
0x69: {  	_ =	swait.ge [sflag:s20], $0x2000  }
0x6a: {  	[sflag:s20] =	ssyncset.done $0x0  }
0x6b: {  	[sflag:s20] =	ssyncadd.s32 $0xFFFFE000  }
0x6c: {  	_ =	sfence.sel $0x180000  }
0x6d: {  	[bflag:$0x0] =	sbarrier.arrive $0xFFFF  }
0x6e: {  	p0 =	sne.s32 s1, $0x0;
	_ =	strace $0x9000004A  }
0x6f: {  	s0 =	sadd.s32 @!p0 $0x100000, s0;
	[bflag:$0x2] =	sbarrier.arrive $0xFFFF  }
0x70: {  	[sflag:s0] =	ssyncadd.tile.s32 @!p0 $0x1;
	_ =	shalt  }
.Lfunc_end2:
_tile_overlayer_lowered:
.L_overlay_start_2:
0x71: {  	(tag) =	ssettag $0x2  }
0x72: {  	s0 =	rddreg [dreg:$0x0];
	s2 =	stileid.u32  }
0x73: {  	s1 =	rddreg [dreg:$0x1];
	p0 =	sne.s32 s2, $0x0  }
0x74: {  	s3 =	rddreg [dreg:$0x2];
	[bflag:$0x3] =	sbarrier.arrive $0xFFFF;
	s2 =	simm.s32 @!p0 $0x1C05  }
0x75: {  	[timem:s3], [sflag:s2] =	dma.local @!p0 [hbm:s0], s1  }
0x76: {  	s0 =	simm.s32 @!p0 $0x5  }
0x77: {  	_ =	swait.ge @!p0 [sflag:s0], s1  }
0x78: {  	s1 =	ssub.s32 @!p0 $0x0, s1;
	[sflag:s0] =	ssyncset.done @!p0 $0x0  }
0x79: {  	[sflag:s0] =	ssyncadd.s32 @!p0 s1  }
0x7a: {  	[bflag:$0x3] =	sbarrier.arrive $0xFFFF  }
0x7b: {  	_ =	shalt  }

// kernel: sparse-core-data-format-call.1.cloned.1.call-start
scs
called_computation.1_lowered:
.L_overlay_start_0:
0x0: {  	s2 =	sld [smem:$0x3FD9]  }
0x1: {  	s3 =	sld [smem:$0x3FFE];
	_ =	sdelay $0x1  }
0x2: {  	s1 =	srdreg.scid  }
0x3: {  	s0 =	sand.u32 $0x1, s1  }
0x4: {  	s18 =	sshll.u32 s0, $0xA;
	s2 =	sadd.s32 s3, s2  }
0x5: {  	s2 =	sadd.s32 s2, s18  }
0x6: {  	[smem:$0x3FC6] =	sst s2  }
0x7: {  	_ = 	snop  }
0x8: {  	s2 =	sld [smem:$0x3FC8];
	(tm) =	ssettm $0x1  }
0x9: {  	s19 =	sld [smem:$0x3FFB];
	_ =	sdelay $0x3  }
0xa: {  	_ =	strace s19  }
0xb: {  	s3 =	sld [smem:$0x3FFC];
	_ =	sdelay $0x3  }
0xc: {  	_ =	strace s3  }
0xd: {  	s3 =	sld [smem:$0x3FFD];
	_ =	sdelay $0x3  }
0xe: {  	_ =	strace s3  }
0xf: {  	_ =	strace $0x8FFFFFFF  }
0x10: {  	s20 =	sld [smem:$0x3FDB];
	_ =	sdelay $0x1  }
0x11: {  	s4 =	simm.s32 $_scs_section_size  }
0x12: {  	s5 =	simm.s32 $_size__tile_overlayer_lowered;
	s6 =	simm.s32 $_tile_overlayer_lowered  }
0x13: {  	s23 =	simm.s32 $0x1BFF;
	s22 =	sshll.u32 s6, $0x1;
	s3 =	sadd.s32 s4, s20  }
0x14: {  	s7 =	simm.s32 $0x0;
	s21 =	sshll.u32 s5, $0x1;
	s5 =	sadd.s32 s22, s3  }
0x15: {  	[timem:s7], [sflag:s23] =	dma.local [hbm:s5], s21  }
0x16: {  	_ =	swait.ge [sflag:s23], s21  }
0x17: {  	s4 =	ssub.s32 $0x0, s21;
	[sflag:s23] =	ssyncset.done $0x0  }
0x18: {  	[sflag:s23] =	ssyncadd.s32 s4;
	_ =	sdelay $0x1  }
0x19: {  	s24 =	simm.s32 $0x1B8B  }
0x1a: {  	_ =	swait.ge [sflag:s24], $0x1  }
0x1b: {  	[sflag:s24] =	ssyncset.done $0x0  }
0x1c: {  	s26 =	simm.s32 $0x1B8E;
	s25 =	sld [smem:$0x3FFE];
	[sflag:s24] =	ssyncadd.s32 $0xFFFFFFFF  }
0x1d: {  	s27 =	simm.s32 $execute0_lowered;
	[smem:$0x3FD2] =	sst s26  }
0x1e: {  	s5 =	sshll.u32 s27, $0x1;
	_ =	strace $0x80000046;
	[dreg:$0x1] =	wrdreg $0xFFFFFFFF  }
0x1f: {  	s28 =	simm.s32 $_size_execute0_lowered;
	s3 =	sadd.s32 s3, s5;
	[dreg:$0x0] =	wrdreg $0x0  }
0x20: {  	s5 =	sshll.u32 s28, $0x1;
	[dreg:$0x2] =	wrdreg s3  }
0x21: {  	[dreg:$0x3] =	wrdreg s5  }
0x22: {  	[dreg:$0x4] =	wrdreg $0xC0  }
0x23: {  	_ =	task [dreg:s7], $0x5FFFF  }
0x24: {  	[dreg:$0x1] =	wrdreg $0xFFFFFFFF  }
0x25: {  	[dreg:$0x0] =	wrdreg $0x60  }
0x26: {  	[dreg:$0x2] =	wrdreg s2  }
0x27: {  	[dreg:$0x3] =	wrdreg s25  }
0x28: {  	[dreg:$0x4] =	wrdreg $0x9  }
0x29: {  	_ =	task.clear_ibuf [dreg:s7], $0x5FFFF;
	_ =	strace $0x90000046  }
0x2a: {  	s29 =	simm.s32 $0x9;
	_ =	strace $0x80000048  }
0x2b: {  	_ =	swait.ge [sflag:s29], $0x1  }
0x2c: {  	[sflag:s29] =	ssyncadd.s32 $0xFFFFFFFF  }
0x2d: {  	_ =	strace $0x90000048  }
0x2e: {  	_ =	sfence  }
0x2f: {  	s30 =	sld [smem:$0x0];
	_ =	sdelay $0x2  }
0x30: {  	s31 =	sshll.u32 s1, $0xD;
	s1 =	sshrl.u32 s1, $0x2  }
0x31: {  	s3 =	sand.u32 $0x4000, s31;
	s1 =	sadd.s32 s1, s30  }
0x32: {  	s0 =	sor.u32 s3, s0;
	s1 =	sshll.u32 s1, $0x11  }
0x33: {  	s0 =	sor.u32 s1, s0  }
0x34: {  	s0 =	sadd.s32 $0x8F2B, s0  }
0x35: {  	[sflag:s0] =	ssyncadd.remote.s32 $0x1  }
0x36: {  	_ =	sfence.sel $0xFFFF  }
0x37: {  	[dreg:$0x0] =	wrdreg $0xFFFFFFFF;
	(pc) =	sbr.abs _section_cstart, $3  }
0x38: {  	[dreg:$0x1] =	wrdreg $0xFFFFFFFF  }
0x39: {  	_ =	task.clear_ibuf [dreg:s7], $0x2FFFF;
	_ =	strace $0x9FFFFFFF  }
0x3a: {  	(tm) =	ssettm $0x7FFFFFFF  }
0x3b: {  	_ =	shalt  }
tec
execute0_lowered:
.L_overlay_start_1:
0x0: {  	(tag) =	ssettag $0x1  }
0x1: {  	s0 =	srdreg.scid;
	s2 =	rddreg [dreg:$0x0]  }
0x2: {  	s5 =	rddreg [dreg:$0x1];
	s1 =	stileid.u32  }
0x3: {  	s4 =	simm.s32 $0x1;
	s6 =	simm.s32 $0x2;
	s15 =	simm.s32 $0x0  }
0x4: {  	p0 =	por $0x0, $0x0;
	s8 =	simm.s32 $0x80;
	s0 =	sshll.u32 s0, $0x4  }
0x5: {  	s14 =	simm.s32 $0x0;
	s9 =	simm.s32 $0x0;
	s3 =	sand.u32 $0x10, s0  }
.Ltmp0:
0x6: {  	s10 =	simm.s32 $0x0;
	s3 =	sor.u32 s1, s3;
	(pc) =	sbr.rel .LBB1_1-.Ltmp0, $4  }
0x7: {  	s0 =	rddreg [dreg:$0x2];
	_ =	strace $0x80000047;
	s3 =	sshll.u32 s3, $0x7  }
0x8: {  	s12 =	simm.s32 $0x0;
	[sflag:s4] =	ssyncpa.u1 $0x0;
	s7 =	ssub.s32 $0xF4200, s3  }
0x9: {  	s13 =	simm.s32 $0x0;
	[sflag:s6] =	ssyncpa.u1 $0x0;
	s6 =	sshrl.u32 s7, $0xC  }
0xa: {  	s5 =	sadd.s32 $0xE00, s5;
	s11 =	smov.u32 s3;
	s7 =	sadd.s32 $0x2, s6  }
.LBB1_5:
0xb: {  	p1 =	slt.u32 s13, $0x2  }
0xc: {  	s17 =	smov.u32 s15;
	p2 =	sgt.s32 @!p1 s15, $0xF41C0;
	s16 =	sshra.s32 @!p1 s15, $0x1F  }
0xd: {  	p3 =	sgt.s32 @!p1 s14, $0x40;
	s18 =	sshra.s32 @!p1 s14, $0x1F;
	p2 =	por !p2, p1  }
0xe: {  	s15 =	sand.u32 @!p1 s16, s15;
	p3 =	por !p3, p1;
	s16 =	smov.u32 s14  }
0xf: {  	s14 =	sand.u32 @!p1 s18, s14;
	s17 =	simm.s32 @p2 $0xF41C0;
	s16 =	simm.s32 @p3 $0x40  }
0x10: {  	s15 =	ssub.s32 @!p1 s17, s15;
	s14 =	ssub.s32 @!p1 s16, s14  }
0x11: {  	s18 =	smov.u32 s12;
	s16 =	sadd.s32 @!p1 $0xFFF0BE40, s15;
	s17 =	sadd.s32 @!p1 $0xFFFFFFC0, s14  }
0x12: {  	s15 =	ssub.s32 @!p1 $0xF4240, s15;
	p2 =	sgt.s32 @!p1 s16, $0x7F;
	p3 =	sgt.s32 @!p1 s17, $0x3F  }
0x13: {  	s14 =	ssub.s32 @!p1 $0x80, s14;
	p2 =	por !p2, p1;
	p3 =	por !p3, p1  }
0x14: {  	s16 =	sadd.s32 $0x1000, s11;
	s15 =	simm.s32 @!p2 $0x0;
	s14 =	simm.s32 @!p3 $0x0  }
0x15: {  	p2 =	sgt.s32 s16, $0xF423F;
	s14 =	smul.u32 @!p1 s14, s15;
	s15 =	sadd.s32 $0x40, s12  }
0x16: {  	s18 =	smov.u32 @p2 s15  }
0x17: {  	s16 =	smov.u32 @p2 s3;
	p2 =	sgt.s32 s18, $0x3F  }
0x18: {  	s18 =	simm.s32 @p2 $0x0;
	p2 =	sne.s32 s13, s7  }
.Ltmp1:
0x19: {  	p0 =	por !p0, !p0;
	s17 =	simm.s32 @!p1 $0x2;
	(pc) =	sbr.rel @!p2 .LBB1_6-.Ltmp1, $4  }
0x1a: {  	s15 =	smov.u32 s9;
	s9 =	smov.u32 s11;
	s14 =	sand.u32 @!p1 $0x3FFFFFFF, s14  }
0x1b: {  	s11 =	smov.u32 s16;
	_ =	swait.ge @!p1 [sflag:s17], s14;
	s19 =	ssub.s32 @!p1 $0x0, s14  }
0x1c: {  	s14 =	smov.u32 s10;
	s13 =	sadd.s32 $0x1, s13;
	[sflag:s17] =	ssyncset.done @!p1 $0x0  }
0x1d: {  	s10 =	smov.u32 s12;
	s12 =	smov.u32 s18;
	[sflag:s17] =	ssyncadd.s32 @!p1 s19  }
.LBB1_1:
0x1e: {  	p1 =	sgt.u32 s13, s6  }
0x1f: {  	s16 =	sshrl.u32 @!p1 s12, $0x3  }
0x20: {  	s17 =	sshll.u32 @!p1 s11, $0x3;
	s16 =	smul.u32 @!p1 $0x7A1400, s16  }
0x21: {  	s18 =	sshll.u32 @!p1 s12, $0x7;
	s17 =	sand.u32 @!p1 $0xFFFFFC00, s17  }
0x22: {  	s16 =	sadd.s32 @!p1 s16, s17;
	s17 =	sand.u32 @!p1 $0x380, s18  }
0x23: {  	s18 =	sand.u32 @!p1 $0x7F, s11;
	s16 =	sor.u32 @!p1 s17, s16  }
0x24: {  	s17 =	sor.u32 @!p1 s18, s16  }
0x25: {  	s18 =	smulhi.u32 @!p1 $0x218D6287, s17;
	_ =	sdelay $0x1  }
0x26: {  	s16 =	smulhi.u32 @!p1 $0x218D6287, s16;
	s18 =	sshrl.u32 @!p1 s18, $0x11  }
0x27: {  	s18 =	smul.u32 @!p1 $0xF4280, s18  }
0x28: {  	s19 =	sxor.u32 @!p1 $0xFFFFFFFF, s13;
	s16 =	sshrl.u32 @!p1 s16, $0x11  }
0x29: {  	s19 =	sshll.u32 @!p1 s19, $0xD;
	s16 =	sand.u32 @!p1 $0x3F, s16;
	s17 =	ssub.s32 @!p1 s17, s18  }
0x2a: {  	s16 =	smul.u32 @!p1 $0x1E850, s16;
	s18 =	sshrl.u32 @!p1 s17, $0x3;
	s17 =	sand.u32 @!p1 $0x7, s17  }
0x2b: {  	s19 =	sand.u32 @!p1 $0x2000, s19;
	s18 =	sadd.s32 @!p1 s2, s18;
	s17 =	sshll.u32 @!p1 s17, $0x12  }
0x2c: {  	s16 =	sadd.s32 @!p1 s16, s18;
	s17 =	sor.u32 @!p1 $0x400, s17;
	s18 =	simm.s32 @!p1 $0x7A1400  }
0x2d: {  	[tilespmem:s19], [sflag:$0x1] =	stream.strided.gather @!p1 [hbm4b:s16+s17], $0x2000, s18, s17, $0x38;
	[tilespmem:$0x8100] =	vst v63  }
0x2e: {  	p1 =	seq.s32 s13, $0x0  }
0x2f: {  	p2 =	sge.u32 @!p1 s13, s7  }
0x30: {  	p1 =	por p1, p2  }
.Ltmp2:
0x31: {  	_ = 	snop;
	(pc) =	sbr.rel @p1 .LBB1_5-.Ltmp2, $1  }
0x32: {  	_ =	sdelay $0x3  }
0x33: {  	s16 =	simm.s32 $0x1  }
0x34: {  	_ =	swait.ge [sflag:s4], $0x2000;
	s16 =	simm.s32 @!p0 $0x0  }
0x35: {  	[sflag:s4] =	ssyncset.done $0x0;
	s17 =	sshll.u32 s16, $0xD  }
0x36: {  	[sflag:s4] =	ssyncadd.s32 $0xFFFFE000;
	s17 =	sor.u32 $0x40, s17  }
0x37: {  	s16 =	smul.u32 $0x8200, s16;
	v0 =	vld [tilespmem:s17+$0x30]  }
0x38: {  	v1 =	vld [tilespmem:s17+$0xFFFFFFD0]  }
0x39: {  	s16 =	sshrl.u32 s16, $0x2;
	v5 =	vld [tilespmem:s17+$0xFFFFFFE0]  }
0x3a: {  	v6 =	vld [tilespmem:s17+$0xFFFFFFF0];
	s19 =	sor.u32 $0x4000, s16  }
0x3b: {  	s31 =	sand.u32 $0x1, s13;
	v4 =	vld [tilespmem:s17+$0x0];
	s18 =	sadd.s32 $0x0, s19  }
0x3c: {  	v3 =	vld [tilespmem:s17+$0x10];
	s16 =	smul.u32 $0x8200, s31;
	[tilespmem:s18+$0x1C70 ss:$0x41] =	vst.msk $0xffff, v0  }
0x3d: {  	v2 =	vld [tilespmem:s17+$0x20];
	[tilespmem:s18+$0x410 ss:$0x41] =	vst.msk $0xffff, v1  }
0x3e: {  	s16 =	sshrl.u32 s16, $0x2;
	v1 =	vld [tilespmem:s17+$0xFFFFFFC0];
	[tilespmem:s18+$0x820 ss:$0x41] =	vst.msk $0xffff, v5;
	s17 =	sadd.s32 $0x80, s17  }
0x3f: {  	s20 =	simm.s32 $0x4;
	s21 =	simm.s32 $0x8;
	s16 =	sor.u32 $0x4000, s16;
	[tilespmem:s18+$0xC30 ss:$0x41] =	vst.msk $0xffff, v6;
	v0 =	vld [tilespmem:s17+$0x30]  }
.LBB1_3:
0x40: {  	p1 =	sne.s32 s21, $0xFC;
	v5 =	vld [tilespmem:s17+$0xFFFFFFD0];
	[tilespmem:s18+$0x1040 ss:$0x41] =	vst.msk $0xffff, v4  }
0x41: {  	v6 =	vld [tilespmem:s17+$0xFFFFFFE0];
	[tilespmem:s18+$0x1450 ss:$0x41] =	vst.msk $0xffff, v3  }
0x42: {  	s22 =	sshra.s32 s20, $0x2;
	s20 =	smov.u32 s21;
	v7 =	vld [tilespmem:s17+$0xFFFFFFF0];
	[tilespmem:s18+$0x1860 ss:$0x41] =	vst.msk $0xffff, v2  }
.Ltmp3:
0x43: {  	v4 =	vld [tilespmem:s17+$0x0];
	[tilespmem:s18+$0x0 ss:$0x41] =	vst.msk $0xffff, v1;
	s18 =	sadd.s32 s22, s19;
	(pc) =	sbr.rel @p1 .LBB1_3-.Ltmp3, $4  }
0x44: {  	v3 =	vld [tilespmem:s17+$0x10];
	[tilespmem:s18+$0x1C70 ss:$0x41] =	vst.msk $0xffff, v0  }
0x45: {  	[tilespmem:s18+$0x410 ss:$0x41] =	vst.msk $0xffff, v5;
	v2 =	vld [tilespmem:s17+$0x20]  }
0x46: {  	v1 =	vld [tilespmem:s17+$0xFFFFFFC0];
	[tilespmem:s18+$0x820 ss:$0x41] =	vst.msk $0xffff, v6;
	s17 =	sadd.s32 $0x80, s17  }
0x47: {  	s21 =	sadd.s32 $0x4, s21;
	v0 =	vld [tilespmem:s17+$0x30];
	[tilespmem:s18+$0xC30 ss:$0x41] =	vst.msk $0xffff, v7  }
0x48: {  	s21 =	sshll.u32 s9, $0x7;
	s22 =	sshll.u32 s10, $0x3;
	s20 =	sshra.s32 s20, $0x2  }
0x49: {  	p1 =	sgt.s32 s9, $0xF41C0;
	s30 =	sshra.s32 s9, $0x1F;
	s25 =	sshra.s32 s10, $0x1F  }
0x4a: {  	v5 =	vld [tilespmem:s17+$0xFFFFFFD0];
	s28 =	sshrl.u32 s10, $0x3;
	s23 =	sand.u32 $0xFFFFFC00, s21;
	s22 =	sand.u32 $0xFFFFFC00, s22  }
0x4b: {  	[tilespmem:s18+$0x1040 ss:$0x41] =	vst.msk $0xffff, v4;
	v58 =	vld [tilespmem:s17+$0xFFFFFFE0];
	s21 =	sand.u32 $0x380, s21;
	s19 =	sadd.s32 s20, s19;
	s22 =	sadd.s32 s22, s23  }
0x4c: {  	v59 =	vld [tilespmem:s17+$0xFFFFFFF0];
	[tilespmem:s18+$0x1450 ss:$0x41] =	vst.msk $0xffff, v3;
	s29 =	sor.u32 s21, s22;
	s21 =	smov.u32 s9;
	s22 =	sand.u32 s30, s9  }
0x4d: {  	v60 =	vld [tilespmem:s17+$0x0];
	[tilespmem:s18+$0x1860 ss:$0x41] =	vst.msk $0xffff, v2;
	s30 =	sand.u32 $0x7, s10;
	s20 =	sshrl.u32 s29, $0x7;
	s21 =	simm.s32 @!p1 $0xF41C0  }
0x4e: {  	v61 =	vld [tilespmem:s17+$0x10];
	[tilespmem:s18+$0x0 ss:$0x41] =	vst.msk $0xffff, v1;
	p1 =	sgt.s32 s10, $0x40;
	s24 =	ssub.s32 s21, s22;
	s21 =	smov.u32 s10  }
0x4f: {  	v62 =	vld [tilespmem:s17+$0x20];
	[tilespmem:s19+$0x1C70 ss:$0x41] =	vst.msk $0xffff, v0;
	s31 =	smulhi.u32 $0x218DEF5, s20;
	s22 =	sand.u32 s25, s10;
	s21 =	simm.s32 @!p1 $0x40  }
0x50: {  	v63 =	vld [tilespmem:s17+$0xFFFFFFC0];
	[tilespmem:s19+$0x410 ss:$0x41] =	vst.msk $0xffff, v5;
	s26 =	sadd.s32 $0xFFF0BE40, s24;
	s17 =	ssub.s32 $0xF4240, s24;
	s21 =	ssub.s32 s21, s22  }
0x51: {  	[tilespmem:s19+$0x820 ss:$0x41] =	vst.msk $0xffff, v58;
	s23 =	sshrl.u32 s31, $0xD;
	p1 =	sgt.s32 s26, $0x7F;
	s27 =	sadd.s32 $0xFFFFFFC0, s21  }
0x52: {  	[tilespmem:s19+$0xC30 ss:$0x41] =	vst.msk $0xffff, v59;
	s23 =	smul.u32 $0xF4240, s23;
	s18 =	ssub.s32 $0x80, s21;
	p2 =	sgt.s32 s27, $0x3F  }
.Ltmp4:
0x53: {  	[tilespmem:s19+$0x1040 ss:$0x41] =	vst.msk $0xffff, v60;
	s17 =	simm.s32 @p1 $0x0;
	s18 =	simm.s32 @p2 $0x0;
	(pc) =	sbr.rel .LBB1_5-.Ltmp4, $4  }
0x54: {  	s29 =	sand.u32 $0xF, s28;
	[tilespmem:s19+$0x1450 ss:$0x41] =	vst.msk $0xffff, v61;
	s20 =	ssub.s32 s20, s23;
	s17 =	smul.u32 s18, s17  }
0x55: {  	[tilespmem:s19+$0x1860 ss:$0x41] =	vst.msk $0xffff, v62;
	s21 =	sshll.u32 s30, $0x12;
	s20 =	sshll.u32 s20, $0x4;
	s18 =	sadd.s32 s5, s29  }
0x56: {  	[tilespmem:s19+$0x0 ss:$0x41] =	vst.msk $0xffff, v63;
	s31 =	sor.u32 $0x40, s21;
	s18 =	sadd.s32 s20, s18;
	s17 =	sand.u32 $0x3FFFFFFF, s17  }
0x57: {  	[hbm4b:s18+s31] =	stream.strided.scatter [tilespmem:s16], [sflag:$0x2], s17, s8, s31, $0x18;
	[tilespmem:$0x8100] =	vst v63  }
.LBB1_6:
0x58: {  	_ =	sfence.sel $0x180000  }
0x59: {  	s2 =	simm.s32 $0x1;
	[bflag:$0x0] =	sbarrier.arrive $0xFFFF  }
0x5a: {  	s31 =	simm.s32 $0x2;
	[sflag:s2] =	ssyncpa.u1 $0x1  }
0x5b: {  	[sflag:s31] =	ssyncpa.u1 $0x1  }
0x5c: {  	p0 =	sne.s32 s1, $0x0;
	_ =	strace $0x90000047  }
0x5d: {  	s0 =	sadd.s32 @!p0 $0x100000, s0;
	[bflag:$0x2] =	sbarrier.arrive $0xFFFF  }
0x5e: {  	[sflag:s0] =	ssyncadd.tile.s32 @!p0 $0x1;
	_ =	shalt  }
.Lfunc_end1:
_tile_overlayer_lowered:
.L_overlay_start_2:
0x5f: {  	(tag) =	ssettag $0x2  }
0x60: {  	s0 =	rddreg [dreg:$0x0];
	s2 =	stileid.u32  }
0x61: {  	s1 =	rddreg [dreg:$0x1];
	p0 =	sne.s32 s2, $0x0  }
0x62: {  	s3 =	rddreg [dreg:$0x2];
	[bflag:$0x3] =	sbarrier.arrive $0xFFFF;
	s2 =	simm.s32 @!p0 $0x1C01  }
0x63: {  	[timem:s3], [sflag:s2] =	dma.local @!p0 [hbm:s0], s1  }
0x64: {  	s0 =	simm.s32 @!p0 $0x1  }
0x65: {  	_ =	swait.ge @!p0 [sflag:s0], s1  }
0x66: {  	s1 =	ssub.s32 @!p0 $0x0, s1;
	[sflag:s0] =	ssyncset.done @!p0 $0x0  }
0x67: {  	[sflag:s0] =	ssyncadd.s32 @!p0 s1  }
0x68: {  	[bflag:$0x3] =	sbarrier.arrive $0xFFFF  }
0x69: {  	_ =	shalt  }

// kernel: sparse-core-data-format-call.cloned.1.call-start
scs
called_computation_lowered:
.L_overlay_start_0:
0x0: {  	s2 =	sld [smem:$0x3FD9]  }
0x1: {  	s3 =	sld [smem:$0x3FFE];
	_ =	sdelay $0x1  }
0x2: {  	s1 =	srdreg.scid  }
0x3: {  	s0 =	sand.u32 $0x1, s1  }
0x4: {  	s18 =	sshll.u32 s0, $0xA;
	s2 =	sadd.s32 s3, s2  }
0x5: {  	s2 =	sadd.s32 s2, s18  }
0x6: {  	[smem:$0x3FC6] =	sst s2  }
0x7: {  	_ = 	snop  }
0x8: {  	s2 =	sld [smem:$0x3FD0];
	(tm) =	ssettm $0x1  }
0x9: {  	s19 =	sld [smem:$0x3FFB];
	_ =	sdelay $0x3  }
0xa: {  	_ =	strace s19  }
0xb: {  	s3 =	sld [smem:$0x3FFC];
	_ =	sdelay $0x3  }
0xc: {  	_ =	strace s3  }
0xd: {  	s3 =	sld [smem:$0x3FFD];
	_ =	sdelay $0x3  }
0xe: {  	_ =	strace s3  }
0xf: {  	_ =	strace $0x8FFFFFFF  }
0x10: {  	s20 =	sld [smem:$0x3FDB];
	_ =	sdelay $0x1  }
0x11: {  	s4 =	simm.s32 $_scs_section_size  }
0x12: {  	s5 =	simm.s32 $_size__tile_overlayer_lowered;
	s6 =	simm.s32 $_tile_overlayer_lowered  }
0x13: {  	s23 =	simm.s32 $0x1BFF;
	s22 =	sshll.u32 s6, $0x1;
	s3 =	sadd.s32 s4, s20  }
0x14: {  	s7 =	simm.s32 $0x0;
	s21 =	sshll.u32 s5, $0x1;
	s5 =	sadd.s32 s22, s3  }
0x15: {  	[timem:s7], [sflag:s23] =	dma.local [hbm:s5], s21  }
0x16: {  	_ =	swait.ge [sflag:s23], s21  }
0x17: {  	s4 =	ssub.s32 $0x0, s21;
	[sflag:s23] =	ssyncset.done $0x0  }
0x18: {  	[sflag:s23] =	ssyncadd.s32 s4;
	_ =	sdelay $0x1  }
0x19: {  	s24 =	simm.s32 $0x1B8B  }
0x1a: {  	_ =	swait.ge [sflag:s24], $0x1  }
0x1b: {  	[sflag:s24] =	ssyncset.done $0x0  }
0x1c: {  	s26 =	simm.s32 $0x1B8E;
	s25 =	sld [smem:$0x3FFE];
	[sflag:s24] =	ssyncadd.s32 $0xFFFFFFFF  }
0x1d: {  	s27 =	simm.s32 $execute0_lowered;
	[smem:$0x3FD2] =	sst s26  }
0x1e: {  	s5 =	sshll.u32 s27, $0x1;
	_ =	strace $0x8000004C;
	[dreg:$0x1] =	wrdreg $0xFFFFFFFF  }
0x1f: {  	s28 =	simm.s32 $_size_execute0_lowered;
	s3 =	sadd.s32 s3, s5;
	[dreg:$0x0] =	wrdreg $0x0  }
0x20: {  	s5 =	sshll.u32 s28, $0x1;
	[dreg:$0x2] =	wrdreg s3  }
0x21: {  	[dreg:$0x3] =	wrdreg s5  }
0x22: {  	[dreg:$0x4] =	wrdreg $0xC0  }
0x23: {  	_ =	task [dreg:s7], $0x5FFFF  }
0x24: {  	[dreg:$0x1] =	wrdreg $0xFFFFFFFF  }
0x25: {  	[dreg:$0x0] =	wrdreg $0x60  }
0x26: {  	[dreg:$0x2] =	wrdreg s25  }
0x27: {  	[dreg:$0x3] =	wrdreg s2  }
0x28: {  	[dreg:$0x4] =	wrdreg $0x9  }
0x29: {  	_ =	task.clear_ibuf [dreg:s7], $0x5FFFF;
	_ =	strace $0x9000004C  }
0x2a: {  	s29 =	simm.s32 $0x9;
	_ =	strace $0x8000004E  }
0x2b: {  	_ =	swait.ge [sflag:s29], $0x1  }
0x2c: {  	[sflag:s29] =	ssyncadd.s32 $0xFFFFFFFF  }
0x2d: {  	_ =	strace $0x9000004E  }
0x2e: {  	_ =	sfence  }
0x2f: {  	s30 =	sld [smem:$0x0];
	_ =	sdelay $0x2  }
0x30: {  	s31 =	sshll.u32 s1, $0xD;
	s1 =	sshrl.u32 s1, $0x2  }
0x31: {  	s3 =	sand.u32 $0x4000, s31;
	s1 =	sadd.s32 s1, s30  }
0x32: {  	s0 =	sor.u32 s3, s0;
	s1 =	sshll.u32 s1, $0x11  }
0x33: {  	s0 =	sor.u32 s1, s0  }
0x34: {  	s0 =	sadd.s32 $0x8F2B, s0  }
0x35: {  	[sflag:s0] =	ssyncadd.remote.s32 $0x1  }
0x36: {  	_ =	sfence.sel $0xFFFF  }
0x37: {  	[dreg:$0x0] =	wrdreg $0xFFFFFFFF;
	(pc) =	sbr.abs _section_cstart, $3  }
0x38: {  	[dreg:$0x1] =	wrdreg $0xFFFFFFFF  }
0x39: {  	_ =	task.clear_ibuf [dreg:s7], $0x2FFFF;
	_ =	strace $0x9FFFFFFF  }
0x3a: {  	(tm) =	ssettm $0x7FFFFFFF  }
0x3b: {  	_ =	shalt  }
tec
execute0_lowered:
.L_overlay_start_1:
0x0: {  	(tag) =	ssettag $0x1  }
0x1: {  	s0 =	srdreg.scid  }
0x2: {  	s1 =	sshll.u32 s0, $0x4  }
0x3: {  	s5 =	rddreg [dreg:$0x0];
	s0 =	stileid.u32;
	s1 =	sand.u32 $0x10, s1  }
0x4: {  	s3 =	rddreg [dreg:$0x1];
	s31 =	simm.s32 $0x2;
	s4 =	sor.u32 s0, s1  }
0x5: {  	s13 =	simm.s32 $0x0;
	s9 =	simm.s32 $0x400;
	s2 =	sshll.u32 s4, $0x7  }
0x6: {  	s10 =	simm.s32 $0x8000;
	s14 =	simm.s32 $0x0;
	s6 =	ssub.s32 $0x1000, s2  }
0x7: {  	s1 =	rddreg [dreg:$0x2];
	_ =	strace $0x8000004D;
	s7 =	sand.u32 $0xF80, s6  }
0x8: {  	s4 =	sshll.u32 s4, $0xB;
	p0 =	sne.s32 s7, $0x0;
	s7 =	simm.s32 $0x1  }
.Ltmp0:
0x9: {  	s6 =	sshrl.u32 s6, $0xC;
	s7 =	simm.s32 @!p0 $0x0;
	(pc) =	sbr.rel .LBB1_1-.Ltmp0, $4  }
0xa: {  	s8 =	sadd.s32 s4, s5;
	s4 =	simm.s32 $0x1;
	s30 =	sadd.s32 s7, s6  }
0xb: {  	s11 =	simm.s32 $0x0;
	[sflag:s4] =	ssyncpa.u1 $0x0;
	s5 =	smul.u32 $0x19, s30  }
0xc: {  	s12 =	simm.s32 $0x0;
	[sflag:s31] =	ssyncpa.u1 $0x0;
	p0 =	por $0x0, $0x0  }
0xd: {  	s6 =	sadd.s32 $0xE00, s8;
	s7 =	sadd.s32 $0x10E00, s8;
	s8 =	sadd.s32 $0x1, s5  }
.LBB1_7:
0xe: {  	s15 =	sadd.s32 $0x2, s11  }
0xf: {  	p2 =	sgt.s32 s15, $0x31  }
0x10: {  	s15 =	simm.s32 @p2 $0x0;
	p2 =	sne.s32 s12, s8  }
.Ltmp1:
0x11: {  	p1 =	slt.u32 s12, $0x2;
	(pc) =	sbr.rel @!p2 .LBB1_8-.Ltmp1, $4  }
0x12: {  	s13 =	simm.s32 @!p1 $0x2  }
0x13: {  	s16 =	sadd.s32 $0x1, s12;
	s14 =	smov.u32 s11;
	_ =	swait.ge @!p1 [sflag:s13], $0x4000  }
0x14: {  	p0 =	por !p0, !p0;
	s12 =	smov.u32 s16;
	[sflag:s13] =	ssyncset.done @!p1 $0x0  }
0x15: {  	s11 =	smov.u32 s15;
	[sflag:s13] =	ssyncadd.s32 @!p1 $0xFFFFC000;
	s13 =	smov.u32 s2  }
.LBB1_1:
0x16: {  	p1 =	sge.u32 s12, s5  }
0x17: {  	s15 =	sxor.u32 @!p1 $0xFFFFFFFF, s12  }
0x18: {  	s16 =	sshll.u32 @!p1 s11, $0x10;
	s18 =	simm.s32 @!p1 $0x40;
	s15 =	sshll.u32 @!p1 s15, $0xE  }
0x19: {  	s19 =	simm.s32 @!p1 $0x80;
	s17 =	sadd.s32 @!p1 s16, s6;
	s15 =	sand.u32 @!p1 $0x4000, s15  }
0x1a: {  	[tilespmem:s15], [sflag:$0x1] =	stream.strided.gather @!p1 [hbm4b:s17+s18], $0x2000, s19, s18, $0x38;
	[tilespmem:$0x10100] =	vst v63  }
0x1b: {  	s31 =	sadd.s32 $0xFFFFFFFF, s12;
	s16 =	sadd.s32 @!p1 s16, s7;
	s15 =	sor.u32 @!p1 $0x2000, s15  }
0x1c: {  	[tilespmem:s15], [sflag:$0x1] =	stream.strided.gather @!p1 [hbm4b:s16+s18], $0x2000, s19, s18, $0x38;
	[tilespmem:$0x10100] =	vst v63  }
0x1d: {  	p1 =	sge.u32 s31, s5  }
.Ltmp2:
0x1e: {  	_ = 	snop;
	(pc) =	sbr.rel @p1 .LBB1_7-.Ltmp2, $1  }
0x1f: {  	_ =	sdelay $0x3  }
0x20: {  	s15 =	simm.s32 $0x1;
	s17 =	sand.u32 $0x1, s12  }
0x21: {  	_ =	swait.ge [sflag:s4], $0x4000;
	s15 =	simm.s32 @!p0 $0x0;
	s17 =	smul.u32 $0x10200, s17  }
0x22: {  	p2 =	por $0x1, $0x1;
	[sflag:s4] =	ssyncset.done $0x0;
	s16 =	smul.u32 $0x10200, s15  }
0x23: {  	s18 =	sshll.u32 s15, $0x10;
	[sflag:s4] =	ssyncadd.s32 $0xFFFFC000;
	s30 =	sshrl.u32 s17, $0x2  }
0x24: {  	s31 =	sshrl.u32 s18, $0x2;
	s18 =	simm.s32 $0x0;
	s16 =	sshrl.u32 s16, $0x2  }
0x25: {  	s15 =	sor.u32 $0x8000, s30;
	s17 =	sadd.s32 $0x20, s31;
	s16 =	sor.u32 $0x8000, s16  }
.LBB1_3:
0x26: {  	s19 =	sshll.u32 s18, $0xD  }
0x27: {  	s19 =	sand.u32 $0x3FFFE000, s19  }
0x28: {  	s21 =	sadd.s32 s19, s17  }
0x29: {  	s31 =	smul.u32 $0x8100, s18;
	v3 =	vld [tilespmem:s21+$0x10]  }
0x2a: {  	v1 =	vld [tilespmem:s21+$0xFFFFFFF0]  }
0x2b: {  	s18 =	sshra.s32 s31, $0x2;
	v0 =	vld [tilespmem:s21+$0x0]  }
0x2c: {  	s18 =	sadd.s32 s18, s16;
	v2 =	vld [tilespmem:s21+$0xFFFFFFE0]  }
0x2d: {  	s19 =	sadd.s32 $0x0, s18  }
0x2e: {  	p1 =	por p2, p2;
	s20 =	simm.s32 $0x4;
	s21 =	sadd.s32 $0x40, s21;
	[tilespmem:s19+$0x1830 ss:$0x81] =	vst.msk $0xffff, v3  }
.LBB1_4:
0x2f: {  	v3 =	vld [tilespmem:s21+$0x10];
	p2 =	sne.s32 s20, $0x1FC;
	[tilespmem:s19+$0x810 ss:$0x81] =	vst.msk $0xffff, v1;
	s22 =	smov.u32 s20;
	s20 =	sadd.s32 $0x4, s20  }
.Ltmp3:
0x30: {  	v1 =	vld [tilespmem:s21+$0xFFFFFFF0];
	[tilespmem:s19+$0x1020 ss:$0x81] =	vst.msk $0xffff, v0;
	(pc) =	sbr.rel @p2 .LBB1_4-.Ltmp3, $4  }
0x31: {  	v0 =	vld [tilespmem:s21+$0x0];
	[tilespmem:s19+$0x0 ss:$0x81] =	vst.msk $0xffff, v2  }
0x32: {  	s19 =	sshra.s32 s22, $0x2;
	v2 =	vld [tilespmem:s21+$0xFFFFFFE0]  }
0x33: {  	s19 =	sadd.s32 s19, s18  }
0x34: {  	s21 =	sadd.s32 $0x40, s21;
	[tilespmem:s19+$0x1830 ss:$0x81] =	vst.msk $0xffff, v3  }
.Ltmp4:
0x35: {  	(pc) =	sbr.rel @p1 .LBB1_3-.Ltmp4, $4  }
0x36: {  	_ = 	snop  }
0x37: {  	[tilespmem:s19+$0x810 ss:$0x81] =	vst.msk $0xffff, v1  }
0x38: {  	[tilespmem:s19+$0x1020 ss:$0x81] =	vst.msk $0xffff, v0  }
0x39: {  	s18 =	simm.s32 $0x1;
	p2 =	por $0x0, $0x0;
	[tilespmem:s19+$0x0 ss:$0x81] =	vst.msk $0xffff, v2  }
.Ltmp5:
0x3a: {  	(pc) =	sbr.rel .LBB1_7-.Ltmp5, $4  }
0x3b: {  	s14 =	sshll.u32 s14, $0xF  }
0x3c: {  	s14 =	sadd.s32 s3, s14  }
0x3d: {  	s13 =	sadd.s32 s13, s14  }
0x3e: {  	[hbm4b:s13+s9] =	stream.strided.scatter [tilespmem:s15], [sflag:$0x2], $0x4000, s10, s9, $0x20;
	[tilespmem:$0x10100] =	vst v63  }
.LBB1_8:
0x3f: {  	_ =	sfence.sel $0x180000  }
0x40: {  	s2 =	simm.s32 $0x1;
	[bflag:$0x0] =	sbarrier.arrive $0xFFFF  }
0x41: {  	s31 =	simm.s32 $0x2;
	[sflag:s2] =	ssyncpa.u1 $0x1  }
0x42: {  	[sflag:s31] =	ssyncpa.u1 $0x1  }
0x43: {  	p0 =	sne.s32 s0, $0x0;
	_ =	strace $0x9000004D  }
0x44: {  	s0 =	sadd.s32 @!p0 $0x100000, s1;
	[bflag:$0x2] =	sbarrier.arrive $0xFFFF  }
0x45: {  	[sflag:s0] =	ssyncadd.tile.s32 @!p0 $0x1;
	_ =	shalt  }
.Lfunc_end1:
_tile_overlayer_lowered:
.L_overlay_start_2:
0x46: {  	(tag) =	ssettag $0x2  }
0x47: {  	s0 =	rddreg [dreg:$0x0];
	s2 =	stileid.u32  }
0x48: {  	s1 =	rddreg [dreg:$0x1];
	p0 =	sne.s32 s2, $0x0  }
0x49: {  	s3 =	rddreg [dreg:$0x2];
	[bflag:$0x3] =	sbarrier.arrive $0xFFFF;
	s2 =	simm.s32 @!p0 $0x1C01  }
0x4a: {  	[timem:s3], [sflag:s2] =	dma.local @!p0 [hbm:s0], s1  }
0x4b: {  	s0 =	simm.s32 @!p0 $0x1  }
0x4c: {  	_ =	swait.ge @!p0 [sflag:s0], s1  }
0x4d: {  	s1 =	ssub.s32 @!p0 $0x0, s1;
	[sflag:s0] =	ssyncset.done @!p0 $0x0  }
0x4e: {  	[sflag:s0] =	ssyncadd.s32 @!p0 s1  }
0x4f: {  	[bflag:$0x3] =	sbarrier.arrive $0xFFFF  }
0x50: {  	_ =	shalt  }

</sc_bundles>
